<compile_context>
chip_gen: v7x
topology: tpu7x:2x2x1
jax: 0.10.2.dev20260603
libtpu: 0.0.44.dev20260713+nightly
codegen_flags: <defaults>
</compile_context>

<pallas_src>
import functools

import jax
import jax.numpy as jnp
from jax import lax
from jax.experimental import pallas as pl
from jax.experimental.pallas import tpu as pltpu
from jax.experimental.pallas import tpu_sc as plsc

_ROW_BLOCK = 256
_CLS_BLOCK = 1024
_NC, _NS = 2, 16
_NW = _NC * _NS
_CHUNK = 32


def _dot(a, b, precision):
    return lax.dot_general(a.astype(jnp.bfloat16), b.astype(jnp.bfloat16),
                           (((1,), (0,)), ((), ())),
                           preferred_element_type=jnp.float32,
                           precision=precision)


def _classifier_body(x_ref, w0_ref, b0_ref, w1_ref, b1_ref, tri_ref,
                     lbl_ref, rank_ref, counts_ref, run_ref):
    num_e = w1_ref.shape[-1]
    x = x_ref[...]
    h = jnp.maximum(_dot(x, w0_ref[...], lax.Precision.DEFAULT) + b0_ref[...], 0.0)
    logits = _dot(h, w1_ref[...], lax.Precision.DEFAULT) + b1_ref[...]
    lbl = jnp.argmax(logits, axis=1).astype(jnp.int32)

    onehot = (lbl[:, None] == lax.broadcasted_iota(jnp.int32, (lbl.shape[0], num_e), 1)
              ).astype(jnp.float32)
    excl = _dot(tri_ref[...], onehot, lax.Precision.DEFAULT)
    rank_in_blk = jnp.sum(excl * onehot, axis=1).astype(jnp.int32)

    @pl.when(pl.program_id(0) == 0)
    def _():
        run_ref[...] = jnp.zeros_like(run_ref)

    base = run_ref[...]
    rank_ref[...] = rank_in_blk + jnp.sum(
        base.astype(jnp.float32) * onehot, axis=1).astype(jnp.int32)
    lbl_ref[...] = lbl
    total = base + jnp.sum(onehot, axis=0, keepdims=True).astype(jnp.int32)
    run_ref[...] = total
    counts_ref[...] = total


def _classify(x, w0, b0, w1, b1):
    n, d = x.shape
    h = w0.shape[1]
    e = w1.shape[1]
    grid = (n // _CLS_BLOCK,)
    return pl.pallas_call(
        _classifier_body,
        grid=grid,
        in_specs=[
            pl.BlockSpec((_CLS_BLOCK, d), lambda i: (i, 0)),
            pl.BlockSpec((d, h), lambda i: (0, 0)),
            pl.BlockSpec((1, h), lambda i: (0, 0)),
            pl.BlockSpec((h, e), lambda i: (0, 0)),
            pl.BlockSpec((1, e), lambda i: (0, 0)),
            pl.BlockSpec((_CLS_BLOCK, _CLS_BLOCK), lambda i: (0, 0)),
        ],
        out_specs=[
            pl.BlockSpec((_CLS_BLOCK,), lambda i: (i,)),
            pl.BlockSpec((_CLS_BLOCK,), lambda i: (i,)),
            pl.BlockSpec((1, e), lambda i: (0, 0)),
        ],
        out_shape=[
            jax.ShapeDtypeStruct((n,), jnp.int32),
            jax.ShapeDtypeStruct((n,), jnp.int32),
            jax.ShapeDtypeStruct((1, e), jnp.int32),
        ],
        scratch_shapes=[pltpu.VMEM((1, e), jnp.int32)],
        compiler_params=pltpu.CompilerParams(
            dimension_semantics=("arbitrary",)),
    )(x, w0.astype(jnp.bfloat16), b0.reshape(1, -1),
      w1.astype(jnp.bfloat16), b1.reshape(1, -1),
      jnp.tril(jnp.ones((_CLS_BLOCK, _CLS_BLOCK), jnp.bfloat16), k=-1))


def _sc_permute_rows(src, idx, out_rows, scatter):
    n = idx.shape[0]
    d = src.shape[1]
    n_per_w = n // _NW
    nch = n_per_w // _CHUNK
    mesh = plsc.VectorSubcoreMesh(core_axis_name="c", subcore_axis_name="s",
                                  num_cores=_NC, num_subcores=_NS)

    @functools.partial(
        pl.kernel,
        out_type=jax.ShapeDtypeStruct((out_rows, d), jnp.float32),
        mesh=mesh,
        scratch_types=(
            [pltpu.VMEM((n_per_w,), jnp.int32)]
            + [pltpu.VMEM((_CHUNK,), jnp.int32) for _ in range(nch)]
            + [pltpu.VMEM((_CHUNK, d), jnp.float32) for _ in range(2)]
            + [pltpu.SemaphoreType.DMA for _ in range(3)]
        ),
    )
    def k(src_hbm, idx_hbm, out_hbm, idx_all, *rest):
        idxb = rest[:nch]
        rows = rest[nch:nch + 2]
        sem_l, sem_s0, sem_s1 = rest[nch + 2:]
        sems = [sem_s0, sem_s1]
        wid = lax.axis_index("s") * _NC + lax.axis_index("c")
        base = wid * n_per_w
        pltpu.sync_copy(idx_hbm.at[pl.ds(base, n_per_w)], idx_all)
        for j in range(nch):
            for t in range(_CHUNK // 16):
                idxb[j][pl.ds(16 * t, 16)] = idx_all[pl.ds(j * _CHUNK + 16 * t, 16)]

        if scatter:
            ld = lambda j, buf: pltpu.async_copy(
                src_hbm.at[pl.ds(base + j * _CHUNK, _CHUNK)], buf, sem_l)
            st = lambda j, buf: pltpu.async_copy(
                buf, out_hbm.at[idxb[j]], sems[j % 2])
        else:
            ld = lambda j, buf: pltpu.async_copy(
                src_hbm.at[idxb[j]], buf, sem_l)
            st = lambda j, buf: pltpu.async_copy(
                buf, out_hbm.at[pl.ds(base + j * _CHUNK, _CHUNK)], sems[j % 2])

        loads = {0: ld(0, rows[0])}
        stores = {}
        for j in range(nch):
            loads[j].wait()
            stores[j] = st(j, rows[j % 2])
            if j + 1 < nch:
                if j - 1 >= 0:
                    stores[j - 1].wait()
                loads[j + 1] = ld(j + 1, rows[(j + 1) % 2])
        stores[nch - 2].wait()
        stores[nch - 1].wait()

    return k(src, idx)


def _sc_scatter_rows(src, idx, p_rows):
    return _sc_permute_rows(src, idx, p_rows, scatter=True)


def _sc_gather_rows(src, idx):
    return _sc_permute_rows(src, idx, idx.shape[0], scatter=False)


def _expert_body(be_ref, bv_ref, x_ref, w0_ref, b0_ref, w1_ref, b1_ref, o_ref):
    del be_ref

    @pl.when(bv_ref[pl.program_id(0)] == 1)
    def _():
        x = x_ref[...]
        h = jnp.maximum(_dot(x, w0_ref[0], lax.Precision.DEFAULT) + b0_ref[0], 0.0)
        o_ref[...] = _dot(h, w1_ref[0], lax.Precision.DEFAULT) + b1_ref[0]


def _expert_mlps(blk_exp, blk_valid, xg, w0, b0, w1, b1):
    p, d = xg.shape
    e, _, dff = w0.shape
    dout = w1.shape[-1]
    nb = p // _ROW_BLOCK
    grid_spec = pltpu.PrefetchScalarGridSpec(
        num_scalar_prefetch=2,
        grid=(nb,),
        in_specs=[
            pl.BlockSpec((_ROW_BLOCK, d), lambda i, be, bv: (i, 0)),
            pl.BlockSpec((1, d, dff), lambda i, be, bv: (be[i], 0, 0)),
            pl.BlockSpec((1, 1, dff), lambda i, be, bv: (be[i], 0, 0)),
            pl.BlockSpec((1, dff, dout), lambda i, be, bv: (be[i], 0, 0)),
            pl.BlockSpec((1, 1, dout), lambda i, be, bv: (be[i], 0, 0)),
        ],
        out_specs=pl.BlockSpec((_ROW_BLOCK, dout), lambda i, be, bv: (i, 0)),
    )
    return pl.pallas_call(
        _expert_body,
        grid_spec=grid_spec,
        out_shape=jax.ShapeDtypeStruct((p, dout), jnp.float32),
        compiler_params=pltpu.CompilerParams(
            dimension_semantics=("arbitrary",)),
    )(blk_exp, blk_valid, xg, w0.astype(jnp.bfloat16), b0.reshape(e, 1, dff),
      w1.astype(jnp.bfloat16), b1.reshape(e, 1, dout))


def kernel(x, clus_W0, clus_b0, clus_W1, clus_b1,
           exp_W0, exp_b0, exp_W1, exp_b1):
    n, d = x.shape
    e = exp_W0.shape[0]
    p_rows = n + e * _ROW_BLOCK
    nb = p_rows // _ROW_BLOCK

    lbl, rank, counts2d = _classify(x, clus_W0, clus_b0, clus_W1, clus_b1)
    counts = counts2d[0]

    padded = ((counts + _ROW_BLOCK - 1) // _ROW_BLOCK) * _ROW_BLOCK
    pad_start = jnp.concatenate(
        [jnp.zeros((1,), jnp.int32), jnp.cumsum(padded)[:-1].astype(jnp.int32)])
    slot = pad_start[lbl] + rank
    blk_exp = (jnp.sum(
        (jnp.arange(nb, dtype=jnp.int32)[:, None] * _ROW_BLOCK)
        >= pad_start[None, :], axis=1) - 1).astype(jnp.int32)
    blk_off = jnp.arange(nb, dtype=jnp.int32) * _ROW_BLOCK - pad_start[blk_exp]
    blk_valid = (blk_off < counts[blk_exp]).astype(jnp.int32)

    xg = _sc_scatter_rows(x, slot, p_rows)
    yg = _expert_mlps(blk_exp, blk_valid, xg, exp_W0, exp_b0, exp_W1, exp_b1)
    return _sc_gather_rows(yg, slot)

# --- scband reference (transcript-rebuilt; emitter-appended) ---
"""Pipeline reference for scband-mo-mnet-6141803233542 (READ-ONLY COPY).

The authoritative reference and input builder live on the scoring server;
editing this copy changes nothing except your own understanding.
"""

import jax, jax.numpy as jnp
import numpy as np


def mlp2(x, W0, b0, W1, b1):
    # GaoNet-style 2-layer MLP: Linear -> ReLU -> Linear
    h = jnp.maximum(x @ W0 + b0, 0.0)
    return h @ W1 + b1


def setup_inputs(seed: int = 0) -> dict:
    key = jax.random.key(seed)
    ks = jax.random.split(key, 12)
    N, d, h_clus, E, dff, dout = 8192, 1024, 512, 8, 2048, 1024
    s = 0.02
    x = jax.random.normal(ks[0], (N, d), dtype=jnp.float32)
    # classifier (clus) GaoNet [1024, 512, 8]
    clus_W0 = jax.random.normal(ks[1], (d, h_clus), dtype=jnp.float32) * s
    clus_b0 = jnp.zeros((h_clus,), dtype=jnp.float32)
    clus_W1 = jax.random.normal(ks[2], (h_clus, E), dtype=jnp.float32) * s
    clus_b1 = jnp.zeros((E,), dtype=jnp.float32)
    # 8 expert GaoNets [1024, 2048, 1024], stacked on leading expert axis
    exp_W0 = jax.random.normal(ks[3], (E, d, dff), dtype=jnp.float32) * s
    exp_b0 = jnp.zeros((E, dff), dtype=jnp.float32)
    exp_W1 = jax.random.normal(ks[4], (E, dff, dout), dtype=jnp.float32) * s
    exp_b1 = jnp.zeros((E, dout), dtype=jnp.float32)
    return {
        "x": x,
        "clus_W0": clus_W0, "clus_b0": clus_b0,
        "clus_W1": clus_W1, "clus_b1": clus_b1,
        "exp_W0": exp_W0, "exp_b0": exp_b0,
        "exp_W1": exp_W1, "exp_b1": exp_b1,
    }


def reference(x, clus_W0, clus_b0, clus_W1, clus_b1, exp_W0, exp_b0, exp_W1, exp_b1):
    # MoMNet.forward with argmax=True, useScale=False
    clusy = mlp2(x, clus_W0, clus_b0, clus_W1, clus_b1)
    lbl = jnp.argmax(clusy, axis=1)  # hard routing label per token
    E = exp_W0.shape[0]
    N = x.shape[0]
    dout = exp_W1.shape[-1]
    outy = jnp.zeros((N, dout), dtype=x.dtype)
    for i in range(E):
        yi = mlp2(x, exp_W0[i], exp_b0[i], exp_W1[i], exp_b1[i])
        # torch does outy[ind] = y for ind = where(lbl == i); masked overwrite is equivalent
        outy = jnp.where((lbl == i)[:, None], yi, outy)
    return outy

if __name__ == "__main__":
    import jax
    _d = setup_inputs()
    print(jax.jit(kernel)(*tuple(_d.values())))

</pallas_src>

<mosaic_0001>
#map = affine_map<(d0, d1) -> (0, 0)>
#map1 = affine_map<(d0, d1) -> (0)>
module attributes {stable_mosaic.version = 14 : i64} {
  func.func @k(%arg0: i32, %arg1: i32, %arg2: memref<10240x1024xf32, #tpu.memory_space<hbm>>, %arg3: memref<8192xi32, #tpu.memory_space<hbm>>, %arg4: memref<8192x1024xf32, #tpu.memory_space<hbm>>, %arg5: memref<256xi32, #tpu.memory_space<vmem>>, %arg6: memref<32xi32, #tpu.memory_space<vmem>>, %arg7: memref<32xi32, #tpu.memory_space<vmem>>, %arg8: memref<32xi32, #tpu.memory_space<vmem>>, %arg9: memref<32xi32, #tpu.memory_space<vmem>>, %arg10: memref<32xi32, #tpu.memory_space<vmem>>, %arg11: memref<32xi32, #tpu.memory_space<vmem>>, %arg12: memref<32xi32, #tpu.memory_space<vmem>>, %arg13: memref<32xi32, #tpu.memory_space<vmem>>, %arg14: memref<32x1024xf32, #tpu.memory_space<vmem>>, %arg15: memref<32x1024xf32, #tpu.memory_space<vmem>>, %arg16: memref<!tpu.dma_semaphore, #tpu.memory_space<semaphore_mem>>, %arg17: memref<!tpu.dma_semaphore, #tpu.memory_space<semaphore_mem>>, %arg18: memref<!tpu.dma_semaphore, #tpu.memory_space<semaphore_mem>>) attributes {dimension_semantics = [#tpu.dimension_semantics<core_parallel>, #tpu.dimension_semantics<subcore_parallel>], iteration_bounds = array<i64: 2, 16>, scalar_prefetch = 0 : i64, scratch_operands = 14 : i64, tpu.core_type = #tpu.core_type<sc_vector_subcore>, window_params = [{transform_indices = #map}, {transform_indices = #map1}, {transform_indices = #map}]} {
    %mul3A = arith.constant 2 : i32
    %mul3A_0 = arith.muli %arg1, %mul3A : i32
    %add3A = arith.addi %mul3A_0, %arg0 : i32
    %mul3A_1 = arith.constant 256 : i32
    %mul3A_2 = arith.muli %add3A, %mul3A_1 : i32
    "tpu.region"() ({
      %run_scoped3A = tpu.sem_alloc : memref<!tpu.dma_semaphore, #tpu.memory_space<semaphore_mem>>
      %dma_start3A_239 = tpu.memref_slice %arg3[%mul3A_2] : memref<8192xi32, #tpu.memory_space<hbm>> -> memref<256xi32, #tpu.memory_space<hbm>>
      %dma_start3A_240 = tpu.memref_slice %arg3[%mul3A_2] : memref<8192xi32, #tpu.memory_space<hbm>> -> memref<256xi32, #tpu.memory_space<hbm>>
      tpu.enqueue_dma source(%dma_start3A_240 : memref<256xi32, #tpu.memory_space<hbm>>) target(%arg5 : memref<256xi32, #tpu.memory_space<vmem>>) target_semaphore(%run_scoped3A : memref<!tpu.dma_semaphore, #tpu.memory_space<semaphore_mem>>)
      %dma_wait3A_241 = tpu.memref_slice %arg3[%mul3A_2] : memref<8192xi32, #tpu.memory_space<hbm>> -> memref<256xi32, #tpu.memory_space<hbm>>
      %dma_wait3A_242 = tpu.memref_slice %arg3[%mul3A_2] : memref<8192xi32, #tpu.memory_space<hbm>> -> memref<256xi32, #tpu.memory_space<hbm>>
      tpu.wait_dma2 semaphore(%run_scoped3A : memref<!tpu.dma_semaphore, #tpu.memory_space<semaphore_mem>>) src(%dma_wait3A_242 : memref<256xi32, #tpu.memory_space<hbm>>) dst(%arg5 : memref<256xi32, #tpu.memory_space<vmem>>)
      tpu.yield
    }) : () -> ()
    %get3A = arith.constant 0 : index
    %get3A_3 = tpu.vector_load %arg5[%get3A] {strides = array<i32>} : memref<256xi32, #tpu.memory_space<vmem>>, vector<16xi32>,
    %get3A_4 = vector.shape_cast %get3A_3 : vector<16xi32> to vector<16xi32>
    %swap3A = arith.constant 0 : index
    %swap3A_5 = tpu.vector_load %arg6[%swap3A] {strides = array<i32>} : memref<32xi32, #tpu.memory_space<vmem>>, vector<16xi32>,
    %swap3A_6 = vector.shape_cast %swap3A_5 : vector<16xi32> to vector<16xi32>
    %swap3A_7 = vector.shape_cast %get3A_4 : vector<16xi32> to vector<16xi32>
    tpu.vector_store %arg6[%swap3A], %swap3A_7 {strides = array<i32>} : memref<32xi32, #tpu.memory_space<vmem>>, vector<16xi32>,
    %get3A_8 = arith.constant 16 : index
    %get3A_9 = tpu.vector_load %arg5[%get3A_8] {strides = array<i32>} : memref<256xi32, #tpu.memory_space<vmem>>, vector<16xi32>,
    %get3A_10 = vector.shape_cast %get3A_9 : vector<16xi32> to vector<16xi32>
    %swap3A_11 = arith.constant 16 : index
    %swap3A_12 = tpu.vector_load %arg6[%swap3A_11] {strides = array<i32>} : memref<32xi32, #tpu.memory_space<vmem>>, vector<16xi32>,
    %swap3A_13 = vector.shape_cast %swap3A_12 : vector<16xi32> to vector<16xi32>
    %swap3A_14 = vector.shape_cast %get3A_10 : vector<16xi32> to vector<16xi32>
    tpu.vector_store %arg6[%swap3A_11], %swap3A_14 {strides = array<i32>} : memref<32xi32, #tpu.memory_space<vmem>>, vector<16xi32>,
    %get3A_15 = arith.constant 32 : index
    %get3A_16 = tpu.vector_load %arg5[%get3A_15] {strides = array<i32>} : memref<256xi32, #tpu.memory_space<vmem>>, vector<16xi32>,
    %get3A_17 = vector.shape_cast %get3A_16 : vector<16xi32> to vector<16xi32>
    %swap3A_18 = arith.constant 0 : index
    %swap3A_19 = tpu.vector_load %arg7[%swap3A_18] {strides = array<i32>} : memref<32xi32, #tpu.memory_space<vmem>>, vector<16xi32>,
    %swap3A_20 = vector.shape_cast %swap3A_19 : vector<16xi32> to vector<16xi32>
    %swap3A_21 = vector.shape_cast %get3A_17 : vector<16xi32> to vector<16xi32>
    tpu.vector_store %arg7[%swap3A_18], %swap3A_21 {strides = array<i32>} : memref<32xi32, #tpu.memory_space<vmem>>, vector<16xi32>,
    %get3A_22 = arith.constant 48 : index
    %get3A_23 = tpu.vector_load %arg5[%get3A_22] {strides = array<i32>} : memref<256xi32, #tpu.memory_space<vmem>>, vector<16xi32>,
    %get3A_24 = vector.shape_cast %get3A_23 : vector<16xi32> to vector<16xi32>
    %swap3A_25 = arith.constant 16 : index
    %swap3A_26 = tpu.vector_load %arg7[%swap3A_25] {strides = array<i32>} : memref<32xi32, #tpu.memory_space<vmem>>, vector<16xi32>,
    %swap3A_27 = vector.shape_cast %swap3A_26 : vector<16xi32> to vector<16xi32>
    %swap3A_28 = vector.shape_cast %get3A_24 : vector<16xi32> to vector<16xi32>
    tpu.vector_store %arg7[%swap3A_25], %swap3A_28 {strides = array<i32>} : memref<32xi32, #tpu.memory_space<vmem>>, vector<16xi32>,
    %get3A_29 = arith.constant 64 : index
    %get3A_30 = tpu.vector_load %arg5[%get3A_29] {strides = array<i32>} : memref<256xi32, #tpu.memory_space<vmem>>, vector<16xi32>,
    %get3A_31 = vector.shape_cast %get3A_30 : vector<16xi32> to vector<16xi32>
    %swap3A_32 = arith.constant 0 : index
    %swap3A_33 = tpu.vector_load %arg8[%swap3A_32] {strides = array<i32>} : memref<32xi32, #tpu.memory_space<vmem>>, vector<16xi32>,
    %swap3A_34 = vector.shape_cast %swap3A_33 : vector<16xi32> to vector<16xi32>
    %swap3A_35 = vector.shape_cast %get3A_31 : vector<16xi32> to vector<16xi32>
    tpu.vector_store %arg8[%swap3A_32], %swap3A_35 {strides = array<i32>} : memref<32xi32, #tpu.memory_space<vmem>>, vector<16xi32>,
    %get3A_36 = arith.constant 80 : index
    %get3A_37 = tpu.vector_load %arg5[%get3A_36] {strides = array<i32>} : memref<256xi32, #tpu.memory_space<vmem>>, vector<16xi32>,
    %get3A_38 = vector.shape_cast %get3A_37 : vector<16xi32> to vector<16xi32>
    %swap3A_39 = arith.constant 16 : index
    %swap3A_40 = tpu.vector_load %arg8[%swap3A_39] {strides = array<i32>} : memref<32xi32, #tpu.memory_space<vmem>>, vector<16xi32>,
    %swap3A_41 = vector.shape_cast %swap3A_40 : vector<16xi32> to vector<16xi32>
    %swap3A_42 = vector.shape_cast %get3A_38 : vector<16xi32> to vector<16xi32>
    tpu.vector_store %arg8[%swap3A_39], %swap3A_42 {strides = array<i32>} : memref<32xi32, #tpu.memory_space<vmem>>, vector<16xi32>,
    %get3A_43 = arith.constant 96 : index
    %get3A_44 = tpu.vector_load %arg5[%get3A_43] {strides = array<i32>} : memref<256xi32, #tpu.memory_space<vmem>>, vector<16xi32>,
    %get3A_45 = vector.shape_cast %get3A_44 : vector<16xi32> to vector<16xi32>
    %swap3A_46 = arith.constant 0 : index
    %swap3A_47 = tpu.vector_load %arg9[%swap3A_46] {strides = array<i32>} : memref<32xi32, #tpu.memory_space<vmem>>, vector<16xi32>,
    %swap3A_48 = vector.shape_cast %swap3A_47 : vector<16xi32> to vector<16xi32>
    %swap3A_49 = vector.shape_cast %get3A_45 : vector<16xi32> to vector<16xi32>
    tpu.vector_store %arg9[%swap3A_46], %swap3A_49 {strides = array<i32>} : memref<32xi32, #tpu.memory_space<vmem>>, vector<16xi32>,
    %get3A_50 = arith.constant 112 : index
    %get3A_51 = tpu.vector_load %arg5[%get3A_50] {strides = array<i32>} : memref<256xi32, #tpu.memory_space<vmem>>, vector<16xi32>,
    %get3A_52 = vector.shape_cast %get3A_51 : vector<16xi32> to vector<16xi32>
    %swap3A_53 = arith.constant 16 : index
    %swap3A_54 = tpu.vector_load %arg9[%swap3A_53] {strides = array<i32>} : memref<32xi32, #tpu.memory_space<vmem>>, vector<16xi32>,
    %swap3A_55 = vector.shape_cast %swap3A_54 : vector<16xi32> to vector<16xi32>
    %swap3A_56 = vector.shape_cast %get3A_52 : vector<16xi32> to vector<16xi32>
    tpu.vector_store %arg9[%swap3A_53], %swap3A_56 {strides = array<i32>} : memref<32xi32, #tpu.memory_space<vmem>>, vector<16xi32>,
    %get3A_57 = arith.constant 128 : index
    %get3A_58 = tpu.vector_load %arg5[%get3A_57] {strides = array<i32>} : memref<256xi32, #tpu.memory_space<vmem>>, vector<16xi32>,
    %get3A_59 = vector.shape_cast %get3A_58 : vector<16xi32> to vector<16xi32>
    %swap3A_60 = arith.constant 0 : index
    %swap3A_61 = tpu.vector_load %arg10[%swap3A_60] {strides = array<i32>} : memref<32xi32, #tpu.memory_space<vmem>>, vector<16xi32>,
    %swap3A_62 = vector.shape_cast %swap3A_61 : vector<16xi32> to vector<16xi32>
    %swap3A_63 = vector.shape_cast %get3A_59 : vector<16xi32> to vector<16xi32>
    tpu.vector_store %arg10[%swap3A_60], %swap3A_63 {strides = array<i32>} : memref<32xi32, #tpu.memory_space<vmem>>, vector<16xi32>,
    %get3A_64 = arith.constant 144 : index
    %get3A_65 = tpu.vector_load %arg5[%get3A_64] {strides = array<i32>} : memref<256xi32, #tpu.memory_space<vmem>>, vector<16xi32>,
    %get3A_66 = vector.shape_cast %get3A_65 : vector<16xi32> to vector<16xi32>
    %swap3A_67 = arith.constant 16 : index
    %swap3A_68 = tpu.vector_load %arg10[%swap3A_67] {strides = array<i32>} : memref<32xi32, #tpu.memory_space<vmem>>, vector<16xi32>,
    %swap3A_69 = vector.shape_cast %swap3A_68 : vector<16xi32> to vector<16xi32>
    %swap3A_70 = vector.shape_cast %get3A_66 : vector<16xi32> to vector<16xi32>
    tpu.vector_store %arg10[%swap3A_67], %swap3A_70 {strides = array<i32>} : memref<32xi32, #tpu.memory_space<vmem>>, vector<16xi32>,
    %get3A_71 = arith.constant 160 : index
    %get3A_72 = tpu.vector_load %arg5[%get3A_71] {strides = array<i32>} : memref<256xi32, #tpu.memory_space<vmem>>, vector<16xi32>,
    %get3A_73 = vector.shape_cast %get3A_72 : vector<16xi32> to vector<16xi32>
    %swap3A_74 = arith.constant 0 : index
    %swap3A_75 = tpu.vector_load %arg11[%swap3A_74] {strides = array<i32>} : memref<32xi32, #tpu.memory_space<vmem>>, vector<16xi32>,
    %swap3A_76 = vector.shape_cast %swap3A_75 : vector<16xi32> to vector<16xi32>
    %swap3A_77 = vector.shape_cast %get3A_73 : vector<16xi32> to vector<16xi32>
    tpu.vector_store %arg11[%swap3A_74], %swap3A_77 {strides = array<i32>} : memref<32xi32, #tpu.memory_space<vmem>>, vector<16xi32>,
    %get3A_78 = arith.constant 176 : index
    %get3A_79 = tpu.vector_load %arg5[%get3A_78] {strides = array<i32>} : memref<256xi32, #tpu.memory_space<vmem>>, vector<16xi32>,
    %get3A_80 = vector.shape_cast %get3A_79 : vector<16xi32> to vector<16xi32>
    %swap3A_81 = arith.constant 16 : index
    %swap3A_82 = tpu.vector_load %arg11[%swap3A_81] {strides = array<i32>} : memref<32xi32, #tpu.memory_space<vmem>>, vector<16xi32>,
    %swap3A_83 = vector.shape_cast %swap3A_82 : vector<16xi32> to vector<16xi32>
    %swap3A_84 = vector.shape_cast %get3A_80 : vector<16xi32> to vector<16xi32>
    tpu.vector_store %arg11[%swap3A_81], %swap3A_84 {strides = array<i32>} : memref<32xi32, #tpu.memory_space<vmem>>, vector<16xi32>,
    %get3A_85 = arith.constant 192 : index
    %get3A_86 = tpu.vector_load %arg5[%get3A_85] {strides = array<i32>} : memref<256xi32, #tpu.memory_space<vmem>>, vector<16xi32>,
    %get3A_87 = vector.shape_cast %get3A_86 : vector<16xi32> to vector<16xi32>
    %swap3A_88 = arith.constant 0 : index
    %swap3A_89 = tpu.vector_load %arg12[%swap3A_88] {strides = array<i32>} : memref<32xi32, #tpu.memory_space<vmem>>, vector<16xi32>,
    %swap3A_90 = vector.shape_cast %swap3A_89 : vector<16xi32> to vector<16xi32>
    %swap3A_91 = vector.shape_cast %get3A_87 : vector<16xi32> to vector<16xi32>
    tpu.vector_store %arg12[%swap3A_88], %swap3A_91 {strides = array<i32>} : memref<32xi32, #tpu.memory_space<vmem>>, vector<16xi32>,
    %get3A_92 = arith.constant 208 : index
    %get3A_93 = tpu.vector_load %arg5[%get3A_92] {strides = array<i32>} : memref<256xi32, #tpu.memory_space<vmem>>, vector<16xi32>,
    %get3A_94 = vector.shape_cast %get3A_93 : vector<16xi32> to vector<16xi32>
    %swap3A_95 = arith.constant 16 : index
    %swap3A_96 = tpu.vector_load %arg12[%swap3A_95] {strides = array<i32>} : memref<32xi32, #tpu.memory_space<vmem>>, vector<16xi32>,
    %swap3A_97 = vector.shape_cast %swap3A_96 : vector<16xi32> to vector<16xi32>
    %swap3A_98 = vector.shape_cast %get3A_94 : vector<16xi32> to vector<16xi32>
    tpu.vector_store %arg12[%swap3A_95], %swap3A_98 {strides = array<i32>} : memref<32xi32, #tpu.memory_space<vmem>>, vector<16xi32>,
    %get3A_99 = arith.constant 224 : index
    %get3A_100 = tpu.vector_load %arg5[%get3A_99] {strides = array<i32>} : memref<256xi32, #tpu.memory_space<vmem>>, vector<16xi32>,
    %get3A_101 = vector.shape_cast %get3A_100 : vector<16xi32> to vector<16xi32>
    %swap3A_102 = arith.constant 0 : index
    %swap3A_103 = tpu.vector_load %arg13[%swap3A_102] {strides = array<i32>} : memref<32xi32, #tpu.memory_space<vmem>>, vector<16xi32>,
    %swap3A_104 = vector.shape_cast %swap3A_103 : vector<16xi32> to vector<16xi32>
    %swap3A_105 = vector.shape_cast %get3A_101 : vector<16xi32> to vector<16xi32>
    tpu.vector_store %arg13[%swap3A_102], %swap3A_105 {strides = array<i32>} : memref<32xi32, #tpu.memory_space<vmem>>, vector<16xi32>,
    %get3A_106 = arith.constant 240 : index
    %get3A_107 = tpu.vector_load %arg5[%get3A_106] {strides = array<i32>} : memref<256xi32, #tpu.memory_space<vmem>>, vector<16xi32>,
    %get3A_108 = vector.shape_cast %get3A_107 : vector<16xi32> to vector<16xi32>
    %swap3A_109 = arith.constant 16 : index
    %swap3A_110 = tpu.vector_load %arg13[%swap3A_109] {strides = array<i32>} : memref<32xi32, #tpu.memory_space<vmem>>, vector<16xi32>,
    %swap3A_111 = vector.shape_cast %swap3A_110 : vector<16xi32> to vector<16xi32>
    %swap3A_112 = vector.shape_cast %get3A_108 : vector<16xi32> to vector<16xi32>
    tpu.vector_store %arg13[%swap3A_109], %swap3A_112 {strides = array<i32>} : memref<32xi32, #tpu.memory_space<vmem>>, vector<16xi32>,
    %dma_start3A = arith.constant 0 : i32
    %dma_start3A_113 = arith.constant 0 : i32
    %dma_start3A_114 = tpu.memref_slice %arg2[%dma_start3A, %dma_start3A_113] : memref<10240x1024xf32, #tpu.memory_space<hbm>> -> memref<10240x1024xf32, #tpu.memory_space<hbm>>
    tpu.enqueue_indirect_dma source(%dma_start3A_114 : memref<10240x1024xf32, #tpu.memory_space<hbm>>) target(%arg14 : memref<32x1024xf32, #tpu.memory_space<vmem>>) offsets(%arg6 : memref<32xi32, #tpu.memory_space<vmem>>) semaphore(%arg16 : memref<!tpu.dma_semaphore, #tpu.memory_space<semaphore_mem>>)
    %dma_wait3A = arith.constant 0 : i32
    %dma_wait3A_115 = arith.constant 0 : i32
    %dma_wait3A_116 = tpu.memref_slice %arg2[%dma_wait3A, %dma_wait3A_115] : memref<10240x1024xf32, #tpu.memory_space<hbm>> -> memref<10240x1024xf32, #tpu.memory_space<hbm>>
    tpu.wait_indirect_dma semaphore(%arg16 : memref<!tpu.dma_semaphore, #tpu.memory_space<semaphore_mem>>) src(%dma_wait3A_116 : memref<10240x1024xf32, #tpu.memory_space<hbm>>) dst(%arg14 : memref<32x1024xf32, #tpu.memory_space<vmem>>)
    %add3A_117 = arith.constant 0 : i32
    %add3A_118 = arith.addi %mul3A_2, %add3A_117 : i32
    %dma_start3A_119 = arith.constant 0 : i32
    %dma_start3A_120 = tpu.memref_slice %arg4[%add3A_118, %dma_start3A_119] : memref<8192x1024xf32, #tpu.memory_space<hbm>> -> memref<32x1024xf32, #tpu.memory_space<hbm>>
    %dma_start3A_121 = arith.constant 0 : i32
    %dma_start3A_122 = tpu.memref_slice %arg4[%add3A_118, %dma_start3A_121] : memref<8192x1024xf32, #tpu.memory_space<hbm>> -> memref<32x1024xf32, #tpu.memory_space<hbm>>
    tpu.enqueue_dma source(%arg14 : memref<32x1024xf32, #tpu.memory_space<vmem>>) target(%dma_start3A_122 : memref<32x1024xf32, #tpu.memory_space<hbm>>) target_semaphore(%arg17 : memref<!tpu.dma_semaphore, #tpu.memory_space<semaphore_mem>>)
    %dma_start3A_123 = arith.constant 0 : i32
    %dma_start3A_124 = arith.constant 0 : i32
    %dma_start3A_125 = tpu.memref_slice %arg2[%dma_start3A_123, %dma_start3A_124] : memref<10240x1024xf32, #tpu.memory_space<hbm>> -> memref<10240x1024xf32, #tpu.memory_space<hbm>>
    tpu.enqueue_indirect_dma source(%dma_start3A_125 : memref<10240x1024xf32, #tpu.memory_space<hbm>>) target(%arg15 : memref<32x1024xf32, #tpu.memory_space<vmem>>) offsets(%arg7 : memref<32xi32, #tpu.memory_space<vmem>>) semaphore(%arg16 : memref<!tpu.dma_semaphore, #tpu.memory_space<semaphore_mem>>)
    %dma_wait3A_126 = arith.constant 0 : i32
    %dma_wait3A_127 = arith.constant 0 : i32
    %dma_wait3A_128 = tpu.memref_slice %arg2[%dma_wait3A_126, %dma_wait3A_127] : memref<10240x1024xf32, #tpu.memory_space<hbm>> -> memref<10240x1024xf32, #tpu.memory_space<hbm>>
    tpu.wait_indirect_dma semaphore(%arg16 : memref<!tpu.dma_semaphore, #tpu.memory_space<semaphore_mem>>) src(%dma_wait3A_128 : memref<10240x1024xf32, #tpu.memory_space<hbm>>) dst(%arg15 : memref<32x1024xf32, #tpu.memory_space<vmem>>)
    %add3A_129 = arith.constant 32 : i32
    %add3A_130 = arith.addi %mul3A_2, %add3A_129 : i32
    %dma_start3A_131 = arith.constant 0 : i32
    %dma_start3A_132 = tpu.memref_slice %arg4[%add3A_130, %dma_start3A_131] : memref<8192x1024xf32, #tpu.memory_space<hbm>> -> memref<32x1024xf32, #tpu.memory_space<hbm>>
    %dma_start3A_133 = arith.constant 0 : i32
    %dma_start3A_134 = tpu.memref_slice %arg4[%add3A_130, %dma_start3A_133] : memref<8192x1024xf32, #tpu.memory_space<hbm>> -> memref<32x1024xf32, #tpu.memory_space<hbm>>
    tpu.enqueue_dma source(%arg15 : memref<32x1024xf32, #tpu.memory_space<vmem>>) target(%dma_start3A_134 : memref<32x1024xf32, #tpu.memory_space<hbm>>) target_semaphore(%arg18 : memref<!tpu.dma_semaphore, #tpu.memory_space<semaphore_mem>>)
    %dma_wait3A_135 = arith.constant 0 : i32
    %dma_wait3A_136 = tpu.memref_slice %arg4[%add3A_118, %dma_wait3A_135] : memref<8192x1024xf32, #tpu.memory_space<hbm>> -> memref<32x1024xf32, #tpu.memory_space<hbm>>
    %dma_wait3A_137 = arith.constant 0 : i32
    %dma_wait3A_138 = tpu.memref_slice %arg4[%add3A_118, %dma_wait3A_137] : memref<8192x1024xf32, #tpu.memory_space<hbm>> -> memref<32x1024xf32, #tpu.memory_space<hbm>>
    tpu.wait_dma2 semaphore(%arg17 : memref<!tpu.dma_semaphore, #tpu.memory_space<semaphore_mem>>) src(%arg14 : memref<32x1024xf32, #tpu.memory_space<vmem>>) dst(%dma_wait3A_138 : memref<32x1024xf32, #tpu.memory_space<hbm>>)
    %dma_start3A_139 = arith.constant 0 : i32
    %dma_start3A_140 = arith.constant 0 : i32
    %dma_start3A_141 = tpu.memref_slice %arg2[%dma_start3A_139, %dma_start3A_140] : memref<10240x1024xf32, #tpu.memory_space<hbm>> -> memref<10240x1024xf32, #tpu.memory_space<hbm>>
    tpu.enqueue_indirect_dma source(%dma_start3A_141 : memref<10240x1024xf32, #tpu.memory_space<hbm>>) target(%arg14 : memref<32x1024xf32, #tpu.memory_space<vmem>>) offsets(%arg8 : memref<32xi32, #tpu.memory_space<vmem>>) semaphore(%arg16 : memref<!tpu.dma_semaphore, #tpu.memory_space<semaphore_mem>>)
    %dma_wait3A_142 = arith.constant 0 : i32
    %dma_wait3A_143 = arith.constant 0 : i32
    %dma_wait3A_144 = tpu.memref_slice %arg2[%dma_wait3A_142, %dma_wait3A_143] : memref<10240x1024xf32, #tpu.memory_space<hbm>> -> memref<10240x1024xf32, #tpu.memory_space<hbm>>
    tpu.wait_indirect_dma semaphore(%arg16 : memref<!tpu.dma_semaphore, #tpu.memory_space<semaphore_mem>>) src(%dma_wait3A_144 : memref<10240x1024xf32, #tpu.memory_space<hbm>>) dst(%arg14 : memref<32x1024xf32, #tpu.memory_space<vmem>>)
    %add3A_145 = arith.constant 64 : i32
    %add3A_146 = arith.addi %mul3A_2, %add3A_145 : i32
    %dma_start3A_147 = arith.constant 0 : i32
    %dma_start3A_148 = tpu.memref_slice %arg4[%add3A_146, %dma_start3A_147] : memref<8192x1024xf32, #tpu.memory_space<hbm>> -> memref<32x1024xf32, #tpu.memory_space<hbm>>
    %dma_start3A_149 = arith.constant 0 : i32
    %dma_start3A_150 = tpu.memref_slice %arg4[%add3A_146, %dma_start3A_149] : memref<8192x1024xf32, #tpu.memory_space<hbm>> -> memref<32x1024xf32, #tpu.memory_space<hbm>>
    tpu.enqueue_dma source(%arg14 : memref<32x1024xf32, #tpu.memory_space<vmem>>) target(%dma_start3A_150 : memref<32x1024xf32, #tpu.memory_space<hbm>>) target_semaphore(%arg17 : memref<!tpu.dma_semaphore, #tpu.memory_space<semaphore_mem>>)
    %dma_wait3A_151 = arith.constant 0 : i32
    %dma_wait3A_152 = tpu.memref_slice %arg4[%add3A_130, %dma_wait3A_151] : memref<8192x1024xf32, #tpu.memory_space<hbm>> -> memref<32x1024xf32, #tpu.memory_space<hbm>>
    %dma_wait3A_153 = arith.constant 0 : i32
    %dma_wait3A_154 = tpu.memref_slice %arg4[%add3A_130, %dma_wait3A_153] : memref<8192x1024xf32, #tpu.memory_space<hbm>> -> memref<32x1024xf32, #tpu.memory_space<hbm>>
    tpu.wait_dma2 semaphore(%arg18 : memref<!tpu.dma_semaphore, #tpu.memory_space<semaphore_mem>>) src(%arg15 : memref<32x1024xf32, #tpu.memory_space<vmem>>) dst(%dma_wait3A_154 : memref<32x1024xf32, #tpu.memory_space<hbm>>)
    %dma_start3A_155 = arith.constant 0 : i32
    %dma_start3A_156 = arith.constant 0 : i32
    %dma_start3A_157 = tpu.memref_slice %arg2[%dma_start3A_155, %dma_start3A_156] : memref<10240x1024xf32, #tpu.memory_space<hbm>> -> memref<10240x1024xf32, #tpu.memory_space<hbm>>
    tpu.enqueue_indirect_dma source(%dma_start3A_157 : memref<10240x1024xf32, #tpu.memory_space<hbm>>) target(%arg15 : memref<32x1024xf32, #tpu.memory_space<vmem>>) offsets(%arg9 : memref<32xi32, #tpu.memory_space<vmem>>) semaphore(%arg16 : memref<!tpu.dma_semaphore, #tpu.memory_space<semaphore_mem>>)
    %dma_wait3A_158 = arith.constant 0 : i32
    %dma_wait3A_159 = arith.constant 0 : i32
    %dma_wait3A_160 = tpu.memref_slice %arg2[%dma_wait3A_158, %dma_wait3A_159] : memref<10240x1024xf32, #tpu.memory_space<hbm>> -> memref<10240x1024xf32, #tpu.memory_space<hbm>>
    tpu.wait_indirect_dma semaphore(%arg16 : memref<!tpu.dma_semaphore, #tpu.memory_space<semaphore_mem>>) src(%dma_wait3A_160 : memref<10240x1024xf32, #tpu.memory_space<hbm>>) dst(%arg15 : memref<32x1024xf32, #tpu.memory_space<vmem>>)
    %add3A_161 = arith.constant 96 : i32
    %add3A_162 = arith.addi %mul3A_2, %add3A_161 : i32
    %dma_start3A_163 = arith.constant 0 : i32
    %dma_start3A_164 = tpu.memref_slice %arg4[%add3A_162, %dma_start3A_163] : memref<8192x1024xf32, #tpu.memory_space<hbm>> -> memref<32x1024xf32, #tpu.memory_space<hbm>>
    %dma_start3A_165 = arith.constant 0 : i32
    %dma_start3A_166 = tpu.memref_slice %arg4[%add3A_162, %dma_start3A_165] : memref<8192x1024xf32, #tpu.memory_space<hbm>> -> memref<32x1024xf32, #tpu.memory_space<hbm>>
    tpu.enqueue_dma source(%arg15 : memref<32x1024xf32, #tpu.memory_space<vmem>>) target(%dma_start3A_166 : memref<32x1024xf32, #tpu.memory_space<hbm>>) target_semaphore(%arg18 : memref<!tpu.dma_semaphore, #tpu.memory_space<semaphore_mem>>)
    %dma_wait3A_167 = arith.constant 0 : i32
    %dma_wait3A_168 = tpu.memref_slice %arg4[%add3A_146, %dma_wait3A_167] : memref<8192x1024xf32, #tpu.memory_space<hbm>> -> memref<32x1024xf32, #tpu.memory_space<hbm>>
    %dma_wait3A_169 = arith.constant 0 : i32
    %dma_wait3A_170 = tpu.memref_slice %arg4[%add3A_146, %dma_wait3A_169] : memref<8192x1024xf32, #tpu.memory_space<hbm>> -> memref<32x1024xf32, #tpu.memory_space<hbm>>
    tpu.wait_dma2 semaphore(%arg17 : memref<!tpu.dma_semaphore, #tpu.memory_space<semaphore_mem>>) src(%arg14 : memref<32x1024xf32, #tpu.memory_space<vmem>>) dst(%dma_wait3A_170 : memref<32x1024xf32, #tpu.memory_space<hbm>>)
    %dma_start3A_171 = arith.constant 0 : i32
    %dma_start3A_172 = arith.constant 0 : i32
    %dma_start3A_173 = tpu.memref_slice %arg2[%dma_start3A_171, %dma_start3A_172] : memref<10240x1024xf32, #tpu.memory_space<hbm>> -> memref<10240x1024xf32, #tpu.memory_space<hbm>>
    tpu.enqueue_indirect_dma source(%dma_start3A_173 : memref<10240x1024xf32, #tpu.memory_space<hbm>>) target(%arg14 : memref<32x1024xf32, #tpu.memory_space<vmem>>) offsets(%arg10 : memref<32xi32, #tpu.memory_space<vmem>>) semaphore(%arg16 : memref<!tpu.dma_semaphore, #tpu.memory_space<semaphore_mem>>)
    %dma_wait3A_174 = arith.constant 0 : i32
    %dma_wait3A_175 = arith.constant 0 : i32
    %dma_wait3A_176 = tpu.memref_slice %arg2[%dma_wait3A_174, %dma_wait3A_175] : memref<10240x1024xf32, #tpu.memory_space<hbm>> -> memref<10240x1024xf32, #tpu.memory_space<hbm>>
    tpu.wait_indirect_dma semaphore(%arg16 : memref<!tpu.dma_semaphore, #tpu.memory_space<semaphore_mem>>) src(%dma_wait3A_176 : memref<10240x1024xf32, #tpu.memory_space<hbm>>) dst(%arg14 : memref<32x1024xf32, #tpu.memory_space<vmem>>)
    %add3A_177 = arith.constant 128 : i32
    %add3A_178 = arith.addi %mul3A_2, %add3A_177 : i32
    %dma_start3A_179 = arith.constant 0 : i32
    %dma_start3A_180 = tpu.memref_slice %arg4[%add3A_178, %dma_start3A_179] : memref<8192x1024xf32, #tpu.memory_space<hbm>> -> memref<32x1024xf32, #tpu.memory_space<hbm>>
    %dma_start3A_181 = arith.constant 0 : i32
    %dma_start3A_182 = tpu.memref_slice %arg4[%add3A_178, %dma_start3A_181] : memref<8192x1024xf32, #tpu.memory_space<hbm>> -> memref<32x1024xf32, #tpu.memory_space<hbm>>
    tpu.enqueue_dma source(%arg14 : memref<32x1024xf32, #tpu.memory_space<vmem>>) target(%dma_start3A_182 : memref<32x1024xf32, #tpu.memory_space<hbm>>) target_semaphore(%arg17 : memref<!tpu.dma_semaphore, #tpu.memory_space<semaphore_mem>>)
    %dma_wait3A_183 = arith.constant 0 : i32
    %dma_wait3A_184 = tpu.memref_slice %arg4[%add3A_162, %dma_wait3A_183] : memref<8192x1024xf32, #tpu.memory_space<hbm>> -> memref<32x1024xf32, #tpu.memory_space<hbm>>
    %dma_wait3A_185 = arith.constant 0 : i32
    %dma_wait3A_186 = tpu.memref_slice %arg4[%add3A_162, %dma_wait3A_185] : memref<8192x1024xf32, #tpu.memory_space<hbm>> -> memref<32x1024xf32, #tpu.memory_space<hbm>>
    tpu.wait_dma2 semaphore(%arg18 : memref<!tpu.dma_semaphore, #tpu.memory_space<semaphore_mem>>) src(%arg15 : memref<32x1024xf32, #tpu.memory_space<vmem>>) dst(%dma_wait3A_186 : memref<32x1024xf32, #tpu.memory_space<hbm>>)
    %dma_start3A_187 = arith.constant 0 : i32
    %dma_start3A_188 = arith.constant 0 : i32
    %dma_start3A_189 = tpu.memref_slice %arg2[%dma_start3A_187, %dma_start3A_188] : memref<10240x1024xf32, #tpu.memory_space<hbm>> -> memref<10240x1024xf32, #tpu.memory_space<hbm>>
    tpu.enqueue_indirect_dma source(%dma_start3A_189 : memref<10240x1024xf32, #tpu.memory_space<hbm>>) target(%arg15 : memref<32x1024xf32, #tpu.memory_space<vmem>>) offsets(%arg11 : memref<32xi32, #tpu.memory_space<vmem>>) semaphore(%arg16 : memref<!tpu.dma_semaphore, #tpu.memory_space<semaphore_mem>>)
    %dma_wait3A_190 = arith.constant 0 : i32
    %dma_wait3A_191 = arith.constant 0 : i32
    %dma_wait3A_192 = tpu.memref_slice %arg2[%dma_wait3A_190, %dma_wait3A_191] : memref<10240x1024xf32, #tpu.memory_space<hbm>> -> memref<10240x1024xf32, #tpu.memory_space<hbm>>
    tpu.wait_indirect_dma semaphore(%arg16 : memref<!tpu.dma_semaphore, #tpu.memory_space<semaphore_mem>>) src(%dma_wait3A_192 : memref<10240x1024xf32, #tpu.memory_space<hbm>>) dst(%arg15 : memref<32x1024xf32, #tpu.memory_space<vmem>>)
    %add3A_193 = arith.constant 160 : i32
    %add3A_194 = arith.addi %mul3A_2, %add3A_193 : i32
    %dma_start3A_195 = arith.constant 0 : i32
    %dma_start3A_196 = tpu.memref_slice %arg4[%add3A_194, %dma_start3A_195] : memref<8192x1024xf32, #tpu.memory_space<hbm>> -> memref<32x1024xf32, #tpu.memory_space<hbm>>
    %dma_start3A_197 = arith.constant 0 : i32
    %dma_start3A_198 = tpu.memref_slice %arg4[%add3A_194, %dma_start3A_197] : memref<8192x1024xf32, #tpu.memory_space<hbm>> -> memref<32x1024xf32, #tpu.memory_space<hbm>>
    tpu.enqueue_dma source(%arg15 : memref<32x1024xf32, #tpu.memory_space<vmem>>) target(%dma_start3A_198 : memref<32x1024xf32, #tpu.memory_space<hbm>>) target_semaphore(%arg18 : memref<!tpu.dma_semaphore, #tpu.memory_space<semaphore_mem>>)
    %dma_wait3A_199 = arith.constant 0 : i32
    %dma_wait3A_200 = tpu.memref_slice %arg4[%add3A_178, %dma_wait3A_199] : memref<8192x1024xf32, #tpu.memory_space<hbm>> -> memref<32x1024xf32, #tpu.memory_space<hbm>>
    %dma_wait3A_201 = arith.constant 0 : i32
    %dma_wait3A_202 = tpu.memref_slice %arg4[%add3A_178, %dma_wait3A_201] : memref<8192x1024xf32, #tpu.memory_space<hbm>> -> memref<32x1024xf32, #tpu.memory_space<hbm>>
    tpu.wait_dma2 semaphore(%arg17 : memref<!tpu.dma_semaphore, #tpu.memory_space<semaphore_mem>>) src(%arg14 : memref<32x1024xf32, #tpu.memory_space<vmem>>) dst(%dma_wait3A_202 : memref<32x1024xf32, #tpu.memory_space<hbm>>)
    %dma_start3A_203 = arith.constant 0 : i32
    %dma_start3A_204 = arith.constant 0 : i32
    %dma_start3A_205 = tpu.memref_slice %arg2[%dma_start3A_203, %dma_start3A_204] : memref<10240x1024xf32, #tpu.memory_space<hbm>> -> memref<10240x1024xf32, #tpu.memory_space<hbm>>
    tpu.enqueue_indirect_dma source(%dma_start3A_205 : memref<10240x1024xf32, #tpu.memory_space<hbm>>) target(%arg14 : memref<32x1024xf32, #tpu.memory_space<vmem>>) offsets(%arg12 : memref<32xi32, #tpu.memory_space<vmem>>) semaphore(%arg16 : memref<!tpu.dma_semaphore, #tpu.memory_space<semaphore_mem>>)
    %dma_wait3A_206 = arith.constant 0 : i32
    %dma_wait3A_207 = arith.constant 0 : i32
    %dma_wait3A_208 = tpu.memref_slice %arg2[%dma_wait3A_206, %dma_wait3A_207] : memref<10240x1024xf32, #tpu.memory_space<hbm>> -> memref<10240x1024xf32, #tpu.memory_space<hbm>>
    tpu.wait_indirect_dma semaphore(%arg16 : memref<!tpu.dma_semaphore, #tpu.memory_space<semaphore_mem>>) src(%dma_wait3A_208 : memref<10240x1024xf32, #tpu.memory_space<hbm>>) dst(%arg14 : memref<32x1024xf32, #tpu.memory_space<vmem>>)
    %add3A_209 = arith.constant 192 : i32
    %add3A_210 = arith.addi %mul3A_2, %add3A_209 : i32
    %dma_start3A_211 = arith.constant 0 : i32
    %dma_start3A_212 = tpu.memref_slice %arg4[%add3A_210, %dma_start3A_211] : memref<8192x1024xf32, #tpu.memory_space<hbm>> -> memref<32x1024xf32, #tpu.memory_space<hbm>>
    %dma_start3A_213 = arith.constant 0 : i32
    %dma_start3A_214 = tpu.memref_slice %arg4[%add3A_210, %dma_start3A_213] : memref<8192x1024xf32, #tpu.memory_space<hbm>> -> memref<32x1024xf32, #tpu.memory_space<hbm>>
    tpu.enqueue_dma source(%arg14 : memref<32x1024xf32, #tpu.memory_space<vmem>>) target(%dma_start3A_214 : memref<32x1024xf32, #tpu.memory_space<hbm>>) target_semaphore(%arg17 : memref<!tpu.dma_semaphore, #tpu.memory_space<semaphore_mem>>)
    %dma_wait3A_215 = arith.constant 0 : i32
    %dma_wait3A_216 = tpu.memref_slice %arg4[%add3A_194, %dma_wait3A_215] : memref<8192x1024xf32, #tpu.memory_space<hbm>> -> memref<32x1024xf32, #tpu.memory_space<hbm>>
    %dma_wait3A_217 = arith.constant 0 : i32
    %dma_wait3A_218 = tpu.memref_slice %arg4[%add3A_194, %dma_wait3A_217] : memref<8192x1024xf32, #tpu.memory_space<hbm>> -> memref<32x1024xf32, #tpu.memory_space<hbm>>
    tpu.wait_dma2 semaphore(%arg18 : memref<!tpu.dma_semaphore, #tpu.memory_space<semaphore_mem>>) src(%arg15 : memref<32x1024xf32, #tpu.memory_space<vmem>>) dst(%dma_wait3A_218 : memref<32x1024xf32, #tpu.memory_space<hbm>>)
    %dma_start3A_219 = arith.constant 0 : i32
    %dma_start3A_220 = arith.constant 0 : i32
    %dma_start3A_221 = tpu.memref_slice %arg2[%dma_start3A_219, %dma_start3A_220] : memref<10240x1024xf32, #tpu.memory_space<hbm>> -> memref<10240x1024xf32, #tpu.memory_space<hbm>>
    tpu.enqueue_indirect_dma source(%dma_start3A_221 : memref<10240x1024xf32, #tpu.memory_space<hbm>>) target(%arg15 : memref<32x1024xf32, #tpu.memory_space<vmem>>) offsets(%arg13 : memref<32xi32, #tpu.memory_space<vmem>>) semaphore(%arg16 : memref<!tpu.dma_semaphore, #tpu.memory_space<semaphore_mem>>)
    %dma_wait3A_222 = arith.constant 0 : i32
    %dma_wait3A_223 = arith.constant 0 : i32
    %dma_wait3A_224 = tpu.memref_slice %arg2[%dma_wait3A_222, %dma_wait3A_223] : memref<10240x1024xf32, #tpu.memory_space<hbm>> -> memref<10240x1024xf32, #tpu.memory_space<hbm>>
    tpu.wait_indirect_dma semaphore(%arg16 : memref<!tpu.dma_semaphore, #tpu.memory_space<semaphore_mem>>) src(%dma_wait3A_224 : memref<10240x1024xf32, #tpu.memory_space<hbm>>) dst(%arg15 : memref<32x1024xf32, #tpu.memory_space<vmem>>)
    %add3A_225 = arith.constant 224 : i32
    %add3A_226 = arith.addi %mul3A_2, %add3A_225 : i32
    %dma_start3A_227 = arith.constant 0 : i32
    %dma_start3A_228 = tpu.memref_slice %arg4[%add3A_226, %dma_start3A_227] : memref<8192x1024xf32, #tpu.memory_space<hbm>> -> memref<32x1024xf32, #tpu.memory_space<hbm>>
    %dma_start3A_229 = arith.constant 0 : i32
    %dma_start3A_230 = tpu.memref_slice %arg4[%add3A_226, %dma_start3A_229] : memref<8192x1024xf32, #tpu.memory_space<hbm>> -> memref<32x1024xf32, #tpu.memory_space<hbm>>
    tpu.enqueue_dma source(%arg15 : memref<32x1024xf32, #tpu.memory_space<vmem>>) target(%dma_start3A_230 : memref<32x1024xf32, #tpu.memory_space<hbm>>) target_semaphore(%arg18 : memref<!tpu.dma_semaphore, #tpu.memory_space<semaphore_mem>>)
    %dma_wait3A_231 = arith.constant 0 : i32
    %dma_wait3A_232 = tpu.memref_slice %arg4[%add3A_210, %dma_wait3A_231] : memref<8192x1024xf32, #tpu.memory_space<hbm>> -> memref<32x1024xf32, #tpu.memory_space<hbm>>
    %dma_wait3A_233 = arith.constant 0 : i32
    %dma_wait3A_234 = tpu.memref_slice %arg4[%add3A_210, %dma_wait3A_233] : memref<8192x1024xf32, #tpu.memory_space<hbm>> -> memref<32x1024xf32, #tpu.memory_space<hbm>>
    tpu.wait_dma2 semaphore(%arg17 : memref<!tpu.dma_semaphore, #tpu.memory_space<semaphore_mem>>) src(%arg14 : memref<32x1024xf32, #tpu.memory_space<vmem>>) dst(%dma_wait3A_234 : memref<32x1024xf32, #tpu.memory_space<hbm>>)
    %dma_wait3A_235 = arith.constant 0 : i32
    %dma_wait3A_236 = tpu.memref_slice %arg4[%add3A_226, %dma_wait3A_235] : memref<8192x1024xf32, #tpu.memory_space<hbm>> -> memref<32x1024xf32, #tpu.memory_space<hbm>>
    %dma_wait3A_237 = arith.constant 0 : i32
    %dma_wait3A_238 = tpu.memref_slice %arg4[%add3A_226, %dma_wait3A_237] : memref<8192x1024xf32, #tpu.memory_space<hbm>> -> memref<32x1024xf32, #tpu.memory_space<hbm>>
    tpu.wait_dma2 semaphore(%arg18 : memref<!tpu.dma_semaphore, #tpu.memory_space<semaphore_mem>>) src(%arg15 : memref<32x1024xf32, #tpu.memory_space<vmem>>) dst(%dma_wait3A_238 : memref<32x1024xf32, #tpu.memory_space<hbm>>)
    return
  }
}

#map = affine_map<(d0, d1) -> (0, 0)>
#map1 = affine_map<(d0, d1) -> (0)>
module attributes {stable_mosaic.version = 14 : i64} {
  func.func @k(%arg0: i32, %arg1: i32, %arg2: memref<8192x1024xf32, #tpu.memory_space<hbm>>, %arg3: memref<8192xi32, #tpu.memory_space<hbm>>, %arg4: memref<10240x1024xf32, #tpu.memory_space<hbm>>, %arg5: memref<256xi32, #tpu.memory_space<vmem>>, %arg6: memref<32xi32, #tpu.memory_space<vmem>>, %arg7: memref<32xi32, #tpu.memory_space<vmem>>, %arg8: memref<32xi32, #tpu.memory_space<vmem>>, %arg9: memref<32xi32, #tpu.memory_space<vmem>>, %arg10: memref<32xi32, #tpu.memory_space<vmem>>, %arg11: memref<32xi32, #tpu.memory_space<vmem>>, %arg12: memref<32xi32, #tpu.memory_space<vmem>>, %arg13: memref<32xi32, #tpu.memory_space<vmem>>, %arg14: memref<32x1024xf32, #tpu.memory_space<vmem>>, %arg15: memref<32x1024xf32, #tpu.memory_space<vmem>>, %arg16: memref<!tpu.dma_semaphore, #tpu.memory_space<semaphore_mem>>, %arg17: memref<!tpu.dma_semaphore, #tpu.memory_space<semaphore_mem>>, %arg18: memref<!tpu.dma_semaphore, #tpu.memory_space<semaphore_mem>>) attributes {dimension_semantics = [#tpu.dimension_semantics<core_parallel>, #tpu.dimension_semantics<subcore_parallel>], iteration_bounds = array<i64: 2, 16>, scalar_prefetch = 0 : i64, scratch_operands = 14 : i64, tpu.core_type = #tpu.core_type<sc_vector_subcore>, window_params = [{transform_indices = #map}, {transform_indices = #map1}, {transform_indices = #map}]} {
    %mul3A = arith.constant 2 : i32
    %mul3A_0 = arith.muli %arg1, %mul3A : i32
    %add3A = arith.addi %mul3A_0, %arg0 : i32
    %mul3A_1 = arith.constant 256 : i32
    %mul3A_2 = arith.muli %add3A, %mul3A_1 : i32
    "tpu.region"() ({
      %run_scoped3A = tpu.sem_alloc : memref<!tpu.dma_semaphore, #tpu.memory_space<semaphore_mem>>
      %dma_start3A_239 = tpu.memref_slice %arg3[%mul3A_2] : memref<8192xi32, #tpu.memory_space<hbm>> -> memref<256xi32, #tpu.memory_space<hbm>>
      %dma_start3A_240 = tpu.memref_slice %arg3[%mul3A_2] : memref<8192xi32, #tpu.memory_space<hbm>> -> memref<256xi32, #tpu.memory_space<hbm>>
      tpu.enqueue_dma source(%dma_start3A_240 : memref<256xi32, #tpu.memory_space<hbm>>) target(%arg5 : memref<256xi32, #tpu.memory_space<vmem>>) target_semaphore(%run_scoped3A : memref<!tpu.dma_semaphore, #tpu.memory_space<semaphore_mem>>)
      %dma_wait3A_241 = tpu.memref_slice %arg3[%mul3A_2] : memref<8192xi32, #tpu.memory_space<hbm>> -> memref<256xi32, #tpu.memory_space<hbm>>
      %dma_wait3A_242 = tpu.memref_slice %arg3[%mul3A_2] : memref<8192xi32, #tpu.memory_space<hbm>> -> memref<256xi32, #tpu.memory_space<hbm>>
      tpu.wait_dma2 semaphore(%run_scoped3A : memref<!tpu.dma_semaphore, #tpu.memory_space<semaphore_mem>>) src(%dma_wait3A_242 : memref<256xi32, #tpu.memory_space<hbm>>) dst(%arg5 : memref<256xi32, #tpu.memory_space<vmem>>)
      tpu.yield
    }) : () -> ()
    %get3A = arith.constant 0 : index
    %get3A_3 = tpu.vector_load %arg5[%get3A] {strides = array<i32>} : memref<256xi32, #tpu.memory_space<vmem>>, vector<16xi32>,
    %get3A_4 = vector.shape_cast %get3A_3 : vector<16xi32> to vector<16xi32>
    %swap3A = arith.constant 0 : index
    %swap3A_5 = tpu.vector_load %arg6[%swap3A] {strides = array<i32>} : memref<32xi32, #tpu.memory_space<vmem>>, vector<16xi32>,
    %swap3A_6 = vector.shape_cast %swap3A_5 : vector<16xi32> to vector<16xi32>
    %swap3A_7 = vector.shape_cast %get3A_4 : vector<16xi32> to vector<16xi32>
    tpu.vector_store %arg6[%swap3A], %swap3A_7 {strides = array<i32>} : memref<32xi32, #tpu.memory_space<vmem>>, vector<16xi32>,
    %get3A_8 = arith.constant 16 : index
    %get3A_9 = tpu.vector_load %arg5[%get3A_8] {strides = array<i32>} : memref<256xi32, #tpu.memory_space<vmem>>, vector<16xi32>,
    %get3A_10 = vector.shape_cast %get3A_9 : vector<16xi32> to vector<16xi32>
    %swap3A_11 = arith.constant 16 : index
    %swap3A_12 = tpu.vector_load %arg6[%swap3A_11] {strides = array<i32>} : memref<32xi32, #tpu.memory_space<vmem>>, vector<16xi32>,
    %swap3A_13 = vector.shape_cast %swap3A_12 : vector<16xi32> to vector<16xi32>
    %swap3A_14 = vector.shape_cast %get3A_10 : vector<16xi32> to vector<16xi32>
    tpu.vector_store %arg6[%swap3A_11], %swap3A_14 {strides = array<i32>} : memref<32xi32, #tpu.memory_space<vmem>>, vector<16xi32>,
    %get3A_15 = arith.constant 32 : index
    %get3A_16 = tpu.vector_load %arg5[%get3A_15] {strides = array<i32>} : memref<256xi32, #tpu.memory_space<vmem>>, vector<16xi32>,
    %get3A_17 = vector.shape_cast %get3A_16 : vector<16xi32> to vector<16xi32>
    %swap3A_18 = arith.constant 0 : index
    %swap3A_19 = tpu.vector_load %arg7[%swap3A_18] {strides = array<i32>} : memref<32xi32, #tpu.memory_space<vmem>>, vector<16xi32>,
    %swap3A_20 = vector.shape_cast %swap3A_19 : vector<16xi32> to vector<16xi32>
    %swap3A_21 = vector.shape_cast %get3A_17 : vector<16xi32> to vector<16xi32>
    tpu.vector_store %arg7[%swap3A_18], %swap3A_21 {strides = array<i32>} : memref<32xi32, #tpu.memory_space<vmem>>, vector<16xi32>,
    %get3A_22 = arith.constant 48 : index
    %get3A_23 = tpu.vector_load %arg5[%get3A_22] {strides = array<i32>} : memref<256xi32, #tpu.memory_space<vmem>>, vector<16xi32>,
    %get3A_24 = vector.shape_cast %get3A_23 : vector<16xi32> to vector<16xi32>
    %swap3A_25 = arith.constant 16 : index
    %swap3A_26 = tpu.vector_load %arg7[%swap3A_25] {strides = array<i32>} : memref<32xi32, #tpu.memory_space<vmem>>, vector<16xi32>,
    %swap3A_27 = vector.shape_cast %swap3A_26 : vector<16xi32> to vector<16xi32>
    %swap3A_28 = vector.shape_cast %get3A_24 : vector<16xi32> to vector<16xi32>
    tpu.vector_store %arg7[%swap3A_25], %swap3A_28 {strides = array<i32>} : memref<32xi32, #tpu.memory_space<vmem>>, vector<16xi32>,
    %get3A_29 = arith.constant 64 : index
    %get3A_30 = tpu.vector_load %arg5[%get3A_29] {strides = array<i32>} : memref<256xi32, #tpu.memory_space<vmem>>, vector<16xi32>,
    %get3A_31 = vector.shape_cast %get3A_30 : vector<16xi32> to vector<16xi32>
    %swap3A_32 = arith.constant 0 : index
    %swap3A_33 = tpu.vector_load %arg8[%swap3A_32] {strides = array<i32>} : memref<32xi32, #tpu.memory_space<vmem>>, vector<16xi32>,
    %swap3A_34 = vector.shape_cast %swap3A_33 : vector<16xi32> to vector<16xi32>
    %swap3A_35 = vector.shape_cast %get3A_31 : vector<16xi32> to vector<16xi32>
    tpu.vector_store %arg8[%swap3A_32], %swap3A_35 {strides = array<i32>} : memref<32xi32, #tpu.memory_space<vmem>>, vector<16xi32>,
    %get3A_36 = arith.constant 80 : index
    %get3A_37 = tpu.vector_load %arg5[%get3A_36] {strides = array<i32>} : memref<256xi32, #tpu.memory_space<vmem>>, vector<16xi32>,
    %get3A_38 = vector.shape_cast %get3A_37 : vector<16xi32> to vector<16xi32>
    %swap3A_39 = arith.constant 16 : index
    %swap3A_40 = tpu.vector_load %arg8[%swap3A_39] {strides = array<i32>} : memref<32xi32, #tpu.memory_space<vmem>>, vector<16xi32>,
    %swap3A_41 = vector.shape_cast %swap3A_40 : vector<16xi32> to vector<16xi32>
    %swap3A_42 = vector.shape_cast %get3A_38 : vector<16xi32> to vector<16xi32>
    tpu.vector_store %arg8[%swap3A_39], %swap3A_42 {strides = array<i32>} : memref<32xi32, #tpu.memory_space<vmem>>, vector<16xi32>,
    %get3A_43 = arith.constant 96 : index
    %get3A_44 = tpu.vector_load %arg5[%get3A_43] {strides = array<i32>} : memref<256xi32, #tpu.memory_space<vmem>>, vector<16xi32>,
    %get3A_45 = vector.shape_cast %get3A_44 : vector<16xi32> to vector<16xi32>
    %swap3A_46 = arith.constant 0 : index
    %swap3A_47 = tpu.vector_load %arg9[%swap3A_46] {strides = array<i32>} : memref<32xi32, #tpu.memory_space<vmem>>, vector<16xi32>,
    %swap3A_48 = vector.shape_cast %swap3A_47 : vector<16xi32> to vector<16xi32>
    %swap3A_49 = vector.shape_cast %get3A_45 : vector<16xi32> to vector<16xi32>
    tpu.vector_store %arg9[%swap3A_46], %swap3A_49 {strides = array<i32>} : memref<32xi32, #tpu.memory_space<vmem>>, vector<16xi32>,
    %get3A_50 = arith.constant 112 : index
    %get3A_51 = tpu.vector_load %arg5[%get3A_50] {strides = array<i32>} : memref<256xi32, #tpu.memory_space<vmem>>, vector<16xi32>,
    %get3A_52 = vector.shape_cast %get3A_51 : vector<16xi32> to vector<16xi32>
    %swap3A_53 = arith.constant 16 : index
    %swap3A_54 = tpu.vector_load %arg9[%swap3A_53] {strides = array<i32>} : memref<32xi32, #tpu.memory_space<vmem>>, vector<16xi32>,
    %swap3A_55 = vector.shape_cast %swap3A_54 : vector<16xi32> to vector<16xi32>
    %swap3A_56 = vector.shape_cast %get3A_52 : vector<16xi32> to vector<16xi32>
    tpu.vector_store %arg9[%swap3A_53], %swap3A_56 {strides = array<i32>} : memref<32xi32, #tpu.memory_space<vmem>>, vector<16xi32>,
    %get3A_57 = arith.constant 128 : index
    %get3A_58 = tpu.vector_load %arg5[%get3A_57] {strides = array<i32>} : memref<256xi32, #tpu.memory_space<vmem>>, vector<16xi32>,
    %get3A_59 = vector.shape_cast %get3A_58 : vector<16xi32> to vector<16xi32>
    %swap3A_60 = arith.constant 0 : index
    %swap3A_61 = tpu.vector_load %arg10[%swap3A_60] {strides = array<i32>} : memref<32xi32, #tpu.memory_space<vmem>>, vector<16xi32>,
    %swap3A_62 = vector.shape_cast %swap3A_61 : vector<16xi32> to vector<16xi32>
    %swap3A_63 = vector.shape_cast %get3A_59 : vector<16xi32> to vector<16xi32>
    tpu.vector_store %arg10[%swap3A_60], %swap3A_63 {strides = array<i32>} : memref<32xi32, #tpu.memory_space<vmem>>, vector<16xi32>,
    %get3A_64 = arith.constant 144 : index
    %get3A_65 = tpu.vector_load %arg5[%get3A_64] {strides = array<i32>} : memref<256xi32, #tpu.memory_space<vmem>>, vector<16xi32>,
    %get3A_66 = vector.shape_cast %get3A_65 : vector<16xi32> to vector<16xi32>
    %swap3A_67 = arith.constant 16 : index
    %swap3A_68 = tpu.vector_load %arg10[%swap3A_67] {strides = array<i32>} : memref<32xi32, #tpu.memory_space<vmem>>, vector<16xi32>,
    %swap3A_69 = vector.shape_cast %swap3A_68 : vector<16xi32> to vector<16xi32>
    %swap3A_70 = vector.shape_cast %get3A_66 : vector<16xi32> to vector<16xi32>
    tpu.vector_store %arg10[%swap3A_67], %swap3A_70 {strides = array<i32>} : memref<32xi32, #tpu.memory_space<vmem>>, vector<16xi32>,
    %get3A_71 = arith.constant 160 : index
    %get3A_72 = tpu.vector_load %arg5[%get3A_71] {strides = array<i32>} : memref<256xi32, #tpu.memory_space<vmem>>, vector<16xi32>,
    %get3A_73 = vector.shape_cast %get3A_72 : vector<16xi32> to vector<16xi32>
    %swap3A_74 = arith.constant 0 : index
    %swap3A_75 = tpu.vector_load %arg11[%swap3A_74] {strides = array<i32>} : memref<32xi32, #tpu.memory_space<vmem>>, vector<16xi32>,
    %swap3A_76 = vector.shape_cast %swap3A_75 : vector<16xi32> to vector<16xi32>
    %swap3A_77 = vector.shape_cast %get3A_73 : vector<16xi32> to vector<16xi32>
    tpu.vector_store %arg11[%swap3A_74], %swap3A_77 {strides = array<i32>} : memref<32xi32, #tpu.memory_space<vmem>>, vector<16xi32>,
    %get3A_78 = arith.constant 176 : index
    %get3A_79 = tpu.vector_load %arg5[%get3A_78] {strides = array<i32>} : memref<256xi32, #tpu.memory_space<vmem>>, vector<16xi32>,
    %get3A_80 = vector.shape_cast %get3A_79 : vector<16xi32> to vector<16xi32>
    %swap3A_81 = arith.constant 16 : index
    %swap3A_82 = tpu.vector_load %arg11[%swap3A_81] {strides = array<i32>} : memref<32xi32, #tpu.memory_space<vmem>>, vector<16xi32>,
    %swap3A_83 = vector.shape_cast %swap3A_82 : vector<16xi32> to vector<16xi32>
    %swap3A_84 = vector.shape_cast %get3A_80 : vector<16xi32> to vector<16xi32>
    tpu.vector_store %arg11[%swap3A_81], %swap3A_84 {strides = array<i32>} : memref<32xi32, #tpu.memory_space<vmem>>, vector<16xi32>,
    %get3A_85 = arith.constant 192 : index
    %get3A_86 = tpu.vector_load %arg5[%get3A_85] {strides = array<i32>} : memref<256xi32, #tpu.memory_space<vmem>>, vector<16xi32>,
    %get3A_87 = vector.shape_cast %get3A_86 : vector<16xi32> to vector<16xi32>
    %swap3A_88 = arith.constant 0 : index
    %swap3A_89 = tpu.vector_load %arg12[%swap3A_88] {strides = array<i32>} : memref<32xi32, #tpu.memory_space<vmem>>, vector<16xi32>,
    %swap3A_90 = vector.shape_cast %swap3A_89 : vector<16xi32> to vector<16xi32>
    %swap3A_91 = vector.shape_cast %get3A_87 : vector<16xi32> to vector<16xi32>
    tpu.vector_store %arg12[%swap3A_88], %swap3A_91 {strides = array<i32>} : memref<32xi32, #tpu.memory_space<vmem>>, vector<16xi32>,
    %get3A_92 = arith.constant 208 : index
    %get3A_93 = tpu.vector_load %arg5[%get3A_92] {strides = array<i32>} : memref<256xi32, #tpu.memory_space<vmem>>, vector<16xi32>,
    %get3A_94 = vector.shape_cast %get3A_93 : vector<16xi32> to vector<16xi32>
    %swap3A_95 = arith.constant 16 : index
    %swap3A_96 = tpu.vector_load %arg12[%swap3A_95] {strides = array<i32>} : memref<32xi32, #tpu.memory_space<vmem>>, vector<16xi32>,
    %swap3A_97 = vector.shape_cast %swap3A_96 : vector<16xi32> to vector<16xi32>
    %swap3A_98 = vector.shape_cast %get3A_94 : vector<16xi32> to vector<16xi32>
    tpu.vector_store %arg12[%swap3A_95], %swap3A_98 {strides = array<i32>} : memref<32xi32, #tpu.memory_space<vmem>>, vector<16xi32>,
    %get3A_99 = arith.constant 224 : index
    %get3A_100 = tpu.vector_load %arg5[%get3A_99] {strides = array<i32>} : memref<256xi32, #tpu.memory_space<vmem>>, vector<16xi32>,
    %get3A_101 = vector.shape_cast %get3A_100 : vector<16xi32> to vector<16xi32>
    %swap3A_102 = arith.constant 0 : index
    %swap3A_103 = tpu.vector_load %arg13[%swap3A_102] {strides = array<i32>} : memref<32xi32, #tpu.memory_space<vmem>>, vector<16xi32>,
    %swap3A_104 = vector.shape_cast %swap3A_103 : vector<16xi32> to vector<16xi32>
    %swap3A_105 = vector.shape_cast %get3A_101 : vector<16xi32> to vector<16xi32>
    tpu.vector_store %arg13[%swap3A_102], %swap3A_105 {strides = array<i32>} : memref<32xi32, #tpu.memory_space<vmem>>, vector<16xi32>,
    %get3A_106 = arith.constant 240 : index
    %get3A_107 = tpu.vector_load %arg5[%get3A_106] {strides = array<i32>} : memref<256xi32, #tpu.memory_space<vmem>>, vector<16xi32>,
    %get3A_108 = vector.shape_cast %get3A_107 : vector<16xi32> to vector<16xi32>
    %swap3A_109 = arith.constant 16 : index
    %swap3A_110 = tpu.vector_load %arg13[%swap3A_109] {strides = array<i32>} : memref<32xi32, #tpu.memory_space<vmem>>, vector<16xi32>,
    %swap3A_111 = vector.shape_cast %swap3A_110 : vector<16xi32> to vector<16xi32>
    %swap3A_112 = vector.shape_cast %get3A_108 : vector<16xi32> to vector<16xi32>
    tpu.vector_store %arg13[%swap3A_109], %swap3A_112 {strides = array<i32>} : memref<32xi32, #tpu.memory_space<vmem>>, vector<16xi32>,
    %add3A_113 = arith.constant 0 : i32
    %add3A_114 = arith.addi %mul3A_2, %add3A_113 : i32
    %dma_start3A = arith.constant 0 : i32
    %dma_start3A_115 = tpu.memref_slice %arg2[%add3A_114, %dma_start3A] : memref<8192x1024xf32, #tpu.memory_space<hbm>> -> memref<32x1024xf32, #tpu.memory_space<hbm>>
    %dma_start3A_116 = arith.constant 0 : i32
    %dma_start3A_117 = tpu.memref_slice %arg2[%add3A_114, %dma_start3A_116] : memref<8192x1024xf32, #tpu.memory_space<hbm>> -> memref<32x1024xf32, #tpu.memory_space<hbm>>
    tpu.enqueue_dma source(%dma_start3A_117 : memref<32x1024xf32, #tpu.memory_space<hbm>>) target(%arg14 : memref<32x1024xf32, #tpu.memory_space<vmem>>) target_semaphore(%arg16 : memref<!tpu.dma_semaphore, #tpu.memory_space<semaphore_mem>>)
    %dma_wait3A = arith.constant 0 : i32
    %dma_wait3A_118 = tpu.memref_slice %arg2[%add3A_114, %dma_wait3A] : memref<8192x1024xf32, #tpu.memory_space<hbm>> -> memref<32x1024xf32, #tpu.memory_space<hbm>>
    %dma_wait3A_119 = arith.constant 0 : i32
    %dma_wait3A_120 = tpu.memref_slice %arg2[%add3A_114, %dma_wait3A_119] : memref<8192x1024xf32, #tpu.memory_space<hbm>> -> memref<32x1024xf32, #tpu.memory_space<hbm>>
    tpu.wait_dma2 semaphore(%arg16 : memref<!tpu.dma_semaphore, #tpu.memory_space<semaphore_mem>>) src(%dma_wait3A_120 : memref<32x1024xf32, #tpu.memory_space<hbm>>) dst(%arg14 : memref<32x1024xf32, #tpu.memory_space<vmem>>)
    %dma_start3A_121 = arith.constant 0 : i32
    %dma_start3A_122 = arith.constant 0 : i32
    %dma_start3A_123 = tpu.memref_slice %arg4[%dma_start3A_121, %dma_start3A_122] : memref<10240x1024xf32, #tpu.memory_space<hbm>> -> memref<10240x1024xf32, #tpu.memory_space<hbm>>
    tpu.enqueue_indirect_dma source(%arg14 : memref<32x1024xf32, #tpu.memory_space<vmem>>) target(%dma_start3A_123 : memref<10240x1024xf32, #tpu.memory_space<hbm>>) offsets(%arg6 : memref<32xi32, #tpu.memory_space<vmem>>) semaphore(%arg17 : memref<!tpu.dma_semaphore, #tpu.memory_space<semaphore_mem>>)
    %add3A_124 = arith.constant 32 : i32
    %add3A_125 = arith.addi %mul3A_2, %add3A_124 : i32
    %dma_start3A_126 = arith.constant 0 : i32
    %dma_start3A_127 = tpu.memref_slice %arg2[%add3A_125, %dma_start3A_126] : memref<8192x1024xf32, #tpu.memory_space<hbm>> -> memref<32x1024xf32, #tpu.memory_space<hbm>>
    %dma_start3A_128 = arith.constant 0 : i32
    %dma_start3A_129 = tpu.memref_slice %arg2[%add3A_125, %dma_start3A_128] : memref<8192x1024xf32, #tpu.memory_space<hbm>> -> memref<32x1024xf32, #tpu.memory_space<hbm>>
    tpu.enqueue_dma source(%dma_start3A_129 : memref<32x1024xf32, #tpu.memory_space<hbm>>) target(%arg15 : memref<32x1024xf32, #tpu.memory_space<vmem>>) target_semaphore(%arg16 : memref<!tpu.dma_semaphore, #tpu.memory_space<semaphore_mem>>)
    %dma_wait3A_130 = arith.constant 0 : i32
    %dma_wait3A_131 = tpu.memref_slice %arg2[%add3A_125, %dma_wait3A_130] : memref<8192x1024xf32, #tpu.memory_space<hbm>> -> memref<32x1024xf32, #tpu.memory_space<hbm>>
    %dma_wait3A_132 = arith.constant 0 : i32
    %dma_wait3A_133 = tpu.memref_slice %arg2[%add3A_125, %dma_wait3A_132] : memref<8192x1024xf32, #tpu.memory_space<hbm>> -> memref<32x1024xf32, #tpu.memory_space<hbm>>
    tpu.wait_dma2 semaphore(%arg16 : memref<!tpu.dma_semaphore, #tpu.memory_space<semaphore_mem>>) src(%dma_wait3A_133 : memref<32x1024xf32, #tpu.memory_space<hbm>>) dst(%arg15 : memref<32x1024xf32, #tpu.memory_space<vmem>>)
    %dma_start3A_134 = arith.constant 0 : i32
    %dma_start3A_135 = arith.constant 0 : i32
    %dma_start3A_136 = tpu.memref_slice %arg4[%dma_start3A_134, %dma_start3A_135] : memref<10240x1024xf32, #tpu.memory_space<hbm>> -> memref<10240x1024xf32, #tpu.memory_space<hbm>>
    tpu.enqueue_indirect_dma source(%arg15 : memref<32x1024xf32, #tpu.memory_space<vmem>>) target(%dma_start3A_136 : memref<10240x1024xf32, #tpu.memory_space<hbm>>) offsets(%arg7 : memref<32xi32, #tpu.memory_space<vmem>>) semaphore(%arg18 : memref<!tpu.dma_semaphore, #tpu.memory_space<semaphore_mem>>)
    %dma_wait3A_137 = arith.constant 0 : i32
    %dma_wait3A_138 = arith.constant 0 : i32
    %dma_wait3A_139 = tpu.memref_slice %arg4[%dma_wait3A_137, %dma_wait3A_138] : memref<10240x1024xf32, #tpu.memory_space<hbm>> -> memref<10240x1024xf32, #tpu.memory_space<hbm>>
    tpu.wait_indirect_dma semaphore(%arg17 : memref<!tpu.dma_semaphore, #tpu.memory_space<semaphore_mem>>) src(%arg14 : memref<32x1024xf32, #tpu.memory_space<vmem>>) dst(%dma_wait3A_139 : memref<10240x1024xf32, #tpu.memory_space<hbm>>)
    %add3A_140 = arith.constant 64 : i32
    %add3A_141 = arith.addi %mul3A_2, %add3A_140 : i32
    %dma_start3A_142 = arith.constant 0 : i32
    %dma_start3A_143 = tpu.memref_slice %arg2[%add3A_141, %dma_start3A_142] : memref<8192x1024xf32, #tpu.memory_space<hbm>> -> memref<32x1024xf32, #tpu.memory_space<hbm>>
    %dma_start3A_144 = arith.constant 0 : i32
    %dma_start3A_145 = tpu.memref_slice %arg2[%add3A_141, %dma_start3A_144] : memref<8192x1024xf32, #tpu.memory_space<hbm>> -> memref<32x1024xf32, #tpu.memory_space<hbm>>
    tpu.enqueue_dma source(%dma_start3A_145 : memref<32x1024xf32, #tpu.memory_space<hbm>>) target(%arg14 : memref<32x1024xf32, #tpu.memory_space<vmem>>) target_semaphore(%arg16 : memref<!tpu.dma_semaphore, #tpu.memory_space<semaphore_mem>>)
    %dma_wait3A_146 = arith.constant 0 : i32
    %dma_wait3A_147 = tpu.memref_slice %arg2[%add3A_141, %dma_wait3A_146] : memref<8192x1024xf32, #tpu.memory_space<hbm>> -> memref<32x1024xf32, #tpu.memory_space<hbm>>
    %dma_wait3A_148 = arith.constant 0 : i32
    %dma_wait3A_149 = tpu.memref_slice %arg2[%add3A_141, %dma_wait3A_148] : memref<8192x1024xf32, #tpu.memory_space<hbm>> -> memref<32x1024xf32, #tpu.memory_space<hbm>>
    tpu.wait_dma2 semaphore(%arg16 : memref<!tpu.dma_semaphore, #tpu.memory_space<semaphore_mem>>) src(%dma_wait3A_149 : memref<32x1024xf32, #tpu.memory_space<hbm>>) dst(%arg14 : memref<32x1024xf32, #tpu.memory_space<vmem>>)
    %dma_start3A_150 = arith.constant 0 : i32
    %dma_start3A_151 = arith.constant 0 : i32
    %dma_start3A_152 = tpu.memref_slice %arg4[%dma_start3A_150, %dma_start3A_151] : memref<10240x1024xf32, #tpu.memory_space<hbm>> -> memref<10240x1024xf32, #tpu.memory_space<hbm>>
    tpu.enqueue_indirect_dma source(%arg14 : memref<32x1024xf32, #tpu.memory_space<vmem>>) target(%dma_start3A_152 : memref<10240x1024xf32, #tpu.memory_space<hbm>>) offsets(%arg8 : memref<32xi32, #tpu.memory_space<vmem>>) semaphore(%arg17 : memref<!tpu.dma_semaphore, #tpu.memory_space<semaphore_mem>>)
    %dma_wait3A_153 = arith.constant 0 : i32
    %dma_wait3A_154 = arith.constant 0 : i32
    %dma_wait3A_155 = tpu.memref_slice %arg4[%dma_wait3A_153, %dma_wait3A_154] : memref<10240x1024xf32, #tpu.memory_space<hbm>> -> memref<10240x1024xf32, #tpu.memory_space<hbm>>
    tpu.wait_indirect_dma semaphore(%arg18 : memref<!tpu.dma_semaphore, #tpu.memory_space<semaphore_mem>>) src(%arg15 : memref<32x1024xf32, #tpu.memory_space<vmem>>) dst(%dma_wait3A_155 : memref<10240x1024xf32, #tpu.memory_space<hbm>>)
    %add3A_156 = arith.constant 96 : i32
    %add3A_157 = arith.addi %mul3A_2, %add3A_156 : i32
    %dma_start3A_158 = arith.constant 0 : i32
    %dma_start3A_159 = tpu.memref_slice %arg2[%add3A_157, %dma_start3A_158] : memref<8192x1024xf32, #tpu.memory_space<hbm>> -> memref<32x1024xf32, #tpu.memory_space<hbm>>
    %dma_start3A_160 = arith.constant 0 : i32
    %dma_start3A_161 = tpu.memref_slice %arg2[%add3A_157, %dma_start3A_160] : memref<8192x1024xf32, #tpu.memory_space<hbm>> -> memref<32x1024xf32, #tpu.memory_space<hbm>>
    tpu.enqueue_dma source(%dma_start3A_161 : memref<32x1024xf32, #tpu.memory_space<hbm>>) target(%arg15 : memref<32x1024xf32, #tpu.memory_space<vmem>>) target_semaphore(%arg16 : memref<!tpu.dma_semaphore, #tpu.memory_space<semaphore_mem>>)
    %dma_wait3A_162 = arith.constant 0 : i32
    %dma_wait3A_163 = tpu.memref_slice %arg2[%add3A_157, %dma_wait3A_162] : memref<8192x1024xf32, #tpu.memory_space<hbm>> -> memref<32x1024xf32, #tpu.memory_space<hbm>>
    %dma_wait3A_164 = arith.constant 0 : i32
    %dma_wait3A_165 = tpu.memref_slice %arg2[%add3A_157, %dma_wait3A_164] : memref<8192x1024xf32, #tpu.memory_space<hbm>> -> memref<32x1024xf32, #tpu.memory_space<hbm>>
    tpu.wait_dma2 semaphore(%arg16 : memref<!tpu.dma_semaphore, #tpu.memory_space<semaphore_mem>>) src(%dma_wait3A_165 : memref<32x1024xf32, #tpu.memory_space<hbm>>) dst(%arg15 : memref<32x1024xf32, #tpu.memory_space<vmem>>)
    %dma_start3A_166 = arith.constant 0 : i32
    %dma_start3A_167 = arith.constant 0 : i32
    %dma_start3A_168 = tpu.memref_slice %arg4[%dma_start3A_166, %dma_start3A_167] : memref<10240x1024xf32, #tpu.memory_space<hbm>> -> memref<10240x1024xf32, #tpu.memory_space<hbm>>
    tpu.enqueue_indirect_dma source(%arg15 : memref<32x1024xf32, #tpu.memory_space<vmem>>) target(%dma_start3A_168 : memref<10240x1024xf32, #tpu.memory_space<hbm>>) offsets(%arg9 : memref<32xi32, #tpu.memory_space<vmem>>) semaphore(%arg18 : memref<!tpu.dma_semaphore, #tpu.memory_space<semaphore_mem>>)
    %dma_wait3A_169 = arith.constant 0 : i32
    %dma_wait3A_170 = arith.constant 0 : i32
    %dma_wait3A_171 = tpu.memref_slice %arg4[%dma_wait3A_169, %dma_wait3A_170] : memref<10240x1024xf32, #tpu.memory_space<hbm>> -> memref<10240x1024xf32, #tpu.memory_space<hbm>>
    tpu.wait_indirect_dma semaphore(%arg17 : memref<!tpu.dma_semaphore, #tpu.memory_space<semaphore_mem>>) src(%arg14 : memref<32x1024xf32, #tpu.memory_space<vmem>>) dst(%dma_wait3A_171 : memref<10240x1024xf32, #tpu.memory_space<hbm>>)
    %add3A_172 = arith.constant 128 : i32
    %add3A_173 = arith.addi %mul3A_2, %add3A_172 : i32
    %dma_start3A_174 = arith.constant 0 : i32
    %dma_start3A_175 = tpu.memref_slice %arg2[%add3A_173, %dma_start3A_174] : memref<8192x1024xf32, #tpu.memory_space<hbm>> -> memref<32x1024xf32, #tpu.memory_space<hbm>>
    %dma_start3A_176 = arith.constant 0 : i32
    %dma_start3A_177 = tpu.memref_slice %arg2[%add3A_173, %dma_start3A_176] : memref<8192x1024xf32, #tpu.memory_space<hbm>> -> memref<32x1024xf32, #tpu.memory_space<hbm>>
    tpu.enqueue_dma source(%dma_start3A_177 : memref<32x1024xf32, #tpu.memory_space<hbm>>) target(%arg14 : memref<32x1024xf32, #tpu.memory_space<vmem>>) target_semaphore(%arg16 : memref<!tpu.dma_semaphore, #tpu.memory_space<semaphore_mem>>)
    %dma_wait3A_178 = arith.constant 0 : i32
    %dma_wait3A_179 = tpu.memref_slice %arg2[%add3A_173, %dma_wait3A_178] : memref<8192x1024xf32, #tpu.memory_space<hbm>> -> memref<32x1024xf32, #tpu.memory_space<hbm>>
    %dma_wait3A_180 = arith.constant 0 : i32
    %dma_wait3A_181 = tpu.memref_slice %arg2[%add3A_173, %dma_wait3A_180] : memref<8192x1024xf32, #tpu.memory_space<hbm>> -> memref<32x1024xf32, #tpu.memory_space<hbm>>
    tpu.wait_dma2 semaphore(%arg16 : memref<!tpu.dma_semaphore, #tpu.memory_space<semaphore_mem>>) src(%dma_wait3A_181 : memref<32x1024xf32, #tpu.memory_space<hbm>>) dst(%arg14 : memref<32x1024xf32, #tpu.memory_space<vmem>>)
    %dma_start3A_182 = arith.constant 0 : i32
    %dma_start3A_183 = arith.constant 0 : i32
    %dma_start3A_184 = tpu.memref_slice %arg4[%dma_start3A_182, %dma_start3A_183] : memref<10240x1024xf32, #tpu.memory_space<hbm>> -> memref<10240x1024xf32, #tpu.memory_space<hbm>>
    tpu.enqueue_indirect_dma source(%arg14 : memref<32x1024xf32, #tpu.memory_space<vmem>>) target(%dma_start3A_184 : memref<10240x1024xf32, #tpu.memory_space<hbm>>) offsets(%arg10 : memref<32xi32, #tpu.memory_space<vmem>>) semaphore(%arg17 : memref<!tpu.dma_semaphore, #tpu.memory_space<semaphore_mem>>)
    %dma_wait3A_185 = arith.constant 0 : i32
    %dma_wait3A_186 = arith.constant 0 : i32
    %dma_wait3A_187 = tpu.memref_slice %arg4[%dma_wait3A_185, %dma_wait3A_186] : memref<10240x1024xf32, #tpu.memory_space<hbm>> -> memref<10240x1024xf32, #tpu.memory_space<hbm>>
    tpu.wait_indirect_dma semaphore(%arg18 : memref<!tpu.dma_semaphore, #tpu.memory_space<semaphore_mem>>) src(%arg15 : memref<32x1024xf32, #tpu.memory_space<vmem>>) dst(%dma_wait3A_187 : memref<10240x1024xf32, #tpu.memory_space<hbm>>)
    %add3A_188 = arith.constant 160 : i32
    %add3A_189 = arith.addi %mul3A_2, %add3A_188 : i32
    %dma_start3A_190 = arith.constant 0 : i32
    %dma_start3A_191 = tpu.memref_slice %arg2[%add3A_189, %dma_start3A_190] : memref<8192x1024xf32, #tpu.memory_space<hbm>> -> memref<32x1024xf32, #tpu.memory_space<hbm>>
    %dma_start3A_192 = arith.constant 0 : i32
    %dma_start3A_193 = tpu.memref_slice %arg2[%add3A_189, %dma_start3A_192] : memref<8192x1024xf32, #tpu.memory_space<hbm>> -> memref<32x1024xf32, #tpu.memory_space<hbm>>
    tpu.enqueue_dma source(%dma_start3A_193 : memref<32x1024xf32, #tpu.memory_space<hbm>>) target(%arg15 : memref<32x1024xf32, #tpu.memory_space<vmem>>) target_semaphore(%arg16 : memref<!tpu.dma_semaphore, #tpu.memory_space<semaphore_mem>>)
    %dma_wait3A_194 = arith.constant 0 : i32
    %dma_wait3A_195 = tpu.memref_slice %arg2[%add3A_189, %dma_wait3A_194] : memref<8192x1024xf32, #tpu.memory_space<hbm>> -> memref<32x1024xf32, #tpu.memory_space<hbm>>
    %dma_wait3A_196 = arith.constant 0 : i32
    %dma_wait3A_197 = tpu.memref_slice %arg2[%add3A_189, %dma_wait3A_196] : memref<8192x1024xf32, #tpu.memory_space<hbm>> -> memref<32x1024xf32, #tpu.memory_space<hbm>>
    tpu.wait_dma2 semaphore(%arg16 : memref<!tpu.dma_semaphore, #tpu.memory_space<semaphore_mem>>) src(%dma_wait3A_197 : memref<32x1024xf32, #tpu.memory_space<hbm>>) dst(%arg15 : memref<32x1024xf32, #tpu.memory_space<vmem>>)
    %dma_start3A_198 = arith.constant 0 : i32
    %dma_start3A_199 = arith.constant 0 : i32
    %dma_start3A_200 = tpu.memref_slice %arg4[%dma_start3A_198, %dma_start3A_199] : memref<10240x1024xf32, #tpu.memory_space<hbm>> -> memref<10240x1024xf32, #tpu.memory_space<hbm>>
    tpu.enqueue_indirect_dma source(%arg15 : memref<32x1024xf32, #tpu.memory_space<vmem>>) target(%dma_start3A_200 : memref<10240x1024xf32, #tpu.memory_space<hbm>>) offsets(%arg11 : memref<32xi32, #tpu.memory_space<vmem>>) semaphore(%arg18 : memref<!tpu.dma_semaphore, #tpu.memory_space<semaphore_mem>>)
    %dma_wait3A_201 = arith.constant 0 : i32
    %dma_wait3A_202 = arith.constant 0 : i32
    %dma_wait3A_203 = tpu.memref_slice %arg4[%dma_wait3A_201, %dma_wait3A_202] : memref<10240x1024xf32, #tpu.memory_space<hbm>> -> memref<10240x1024xf32, #tpu.memory_space<hbm>>
    tpu.wait_indirect_dma semaphore(%arg17 : memref<!tpu.dma_semaphore, #tpu.memory_space<semaphore_mem>>) src(%arg14 : memref<32x1024xf32, #tpu.memory_space<vmem>>) dst(%dma_wait3A_203 : memref<10240x1024xf32, #tpu.memory_space<hbm>>)
    %add3A_204 = arith.constant 192 : i32
    %add3A_205 = arith.addi %mul3A_2, %add3A_204 : i32
    %dma_start3A_206 = arith.constant 0 : i32
    %dma_start3A_207 = tpu.memref_slice %arg2[%add3A_205, %dma_start3A_206] : memref<8192x1024xf32, #tpu.memory_space<hbm>> -> memref<32x1024xf32, #tpu.memory_space<hbm>>
    %dma_start3A_208 = arith.constant 0 : i32
    %dma_start3A_209 = tpu.memref_slice %arg2[%add3A_205, %dma_start3A_208] : memref<8192x1024xf32, #tpu.memory_space<hbm>> -> memref<32x1024xf32, #tpu.memory_space<hbm>>
    tpu.enqueue_dma source(%dma_start3A_209 : memref<32x1024xf32, #tpu.memory_space<hbm>>) target(%arg14 : memref<32x1024xf32, #tpu.memory_space<vmem>>) target_semaphore(%arg16 : memref<!tpu.dma_semaphore, #tpu.memory_space<semaphore_mem>>)
    %dma_wait3A_210 = arith.constant 0 : i32
    %dma_wait3A_211 = tpu.memref_slice %arg2[%add3A_205, %dma_wait3A_210] : memref<8192x1024xf32, #tpu.memory_space<hbm>> -> memref<32x1024xf32, #tpu.memory_space<hbm>>
    %dma_wait3A_212 = arith.constant 0 : i32
    %dma_wait3A_213 = tpu.memref_slice %arg2[%add3A_205, %dma_wait3A_212] : memref<8192x1024xf32, #tpu.memory_space<hbm>> -> memref<32x1024xf32, #tpu.memory_space<hbm>>
    tpu.wait_dma2 semaphore(%arg16 : memref<!tpu.dma_semaphore, #tpu.memory_space<semaphore_mem>>) src(%dma_wait3A_213 : memref<32x1024xf32, #tpu.memory_space<hbm>>) dst(%arg14 : memref<32x1024xf32, #tpu.memory_space<vmem>>)
    %dma_start3A_214 = arith.constant 0 : i32
    %dma_start3A_215 = arith.constant 0 : i32
    %dma_start3A_216 = tpu.memref_slice %arg4[%dma_start3A_214, %dma_start3A_215] : memref<10240x1024xf32, #tpu.memory_space<hbm>> -> memref<10240x1024xf32, #tpu.memory_space<hbm>>
    tpu.enqueue_indirect_dma source(%arg14 : memref<32x1024xf32, #tpu.memory_space<vmem>>) target(%dma_start3A_216 : memref<10240x1024xf32, #tpu.memory_space<hbm>>) offsets(%arg12 : memref<32xi32, #tpu.memory_space<vmem>>) semaphore(%arg17 : memref<!tpu.dma_semaphore, #tpu.memory_space<semaphore_mem>>)
    %dma_wait3A_217 = arith.constant 0 : i32
    %dma_wait3A_218 = arith.constant 0 : i32
    %dma_wait3A_219 = tpu.memref_slice %arg4[%dma_wait3A_217, %dma_wait3A_218] : memref<10240x1024xf32, #tpu.memory_space<hbm>> -> memref<10240x1024xf32, #tpu.memory_space<hbm>>
    tpu.wait_indirect_dma semaphore(%arg18 : memref<!tpu.dma_semaphore, #tpu.memory_space<semaphore_mem>>) src(%arg15 : memref<32x1024xf32, #tpu.memory_space<vmem>>) dst(%dma_wait3A_219 : memref<10240x1024xf32, #tpu.memory_space<hbm>>)
    %add3A_220 = arith.constant 224 : i32
    %add3A_221 = arith.addi %mul3A_2, %add3A_220 : i32
    %dma_start3A_222 = arith.constant 0 : i32
    %dma_start3A_223 = tpu.memref_slice %arg2[%add3A_221, %dma_start3A_222] : memref<8192x1024xf32, #tpu.memory_space<hbm>> -> memref<32x1024xf32, #tpu.memory_space<hbm>>
    %dma_start3A_224 = arith.constant 0 : i32
    %dma_start3A_225 = tpu.memref_slice %arg2[%add3A_221, %dma_start3A_224] : memref<8192x1024xf32, #tpu.memory_space<hbm>> -> memref<32x1024xf32, #tpu.memory_space<hbm>>
    tpu.enqueue_dma source(%dma_start3A_225 : memref<32x1024xf32, #tpu.memory_space<hbm>>) target(%arg15 : memref<32x1024xf32, #tpu.memory_space<vmem>>) target_semaphore(%arg16 : memref<!tpu.dma_semaphore, #tpu.memory_space<semaphore_mem>>)
    %dma_wait3A_226 = arith.constant 0 : i32
    %dma_wait3A_227 = tpu.memref_slice %arg2[%add3A_221, %dma_wait3A_226] : memref<8192x1024xf32, #tpu.memory_space<hbm>> -> memref<32x1024xf32, #tpu.memory_space<hbm>>
    %dma_wait3A_228 = arith.constant 0 : i32
    %dma_wait3A_229 = tpu.memref_slice %arg2[%add3A_221, %dma_wait3A_228] : memref<8192x1024xf32, #tpu.memory_space<hbm>> -> memref<32x1024xf32, #tpu.memory_space<hbm>>
    tpu.wait_dma2 semaphore(%arg16 : memref<!tpu.dma_semaphore, #tpu.memory_space<semaphore_mem>>) src(%dma_wait3A_229 : memref<32x1024xf32, #tpu.memory_space<hbm>>) dst(%arg15 : memref<32x1024xf32, #tpu.memory_space<vmem>>)
    %dma_start3A_230 = arith.constant 0 : i32
    %dma_start3A_231 = arith.constant 0 : i32
    %dma_start3A_232 = tpu.memref_slice %arg4[%dma_start3A_230, %dma_start3A_231] : memref<10240x1024xf32, #tpu.memory_space<hbm>> -> memref<10240x1024xf32, #tpu.memory_space<hbm>>
    tpu.enqueue_indirect_dma source(%arg15 : memref<32x1024xf32, #tpu.memory_space<vmem>>) target(%dma_start3A_232 : memref<10240x1024xf32, #tpu.memory_space<hbm>>) offsets(%arg13 : memref<32xi32, #tpu.memory_space<vmem>>) semaphore(%arg18 : memref<!tpu.dma_semaphore, #tpu.memory_space<semaphore_mem>>)
    %dma_wait3A_233 = arith.constant 0 : i32
    %dma_wait3A_234 = arith.constant 0 : i32
    %dma_wait3A_235 = tpu.memref_slice %arg4[%dma_wait3A_233, %dma_wait3A_234] : memref<10240x1024xf32, #tpu.memory_space<hbm>> -> memref<10240x1024xf32, #tpu.memory_space<hbm>>
    tpu.wait_indirect_dma semaphore(%arg17 : memref<!tpu.dma_semaphore, #tpu.memory_space<semaphore_mem>>) src(%arg14 : memref<32x1024xf32, #tpu.memory_space<vmem>>) dst(%dma_wait3A_235 : memref<10240x1024xf32, #tpu.memory_space<hbm>>)
    %dma_wait3A_236 = arith.constant 0 : i32
    %dma_wait3A_237 = arith.constant 0 : i32
    %dma_wait3A_238 = tpu.memref_slice %arg4[%dma_wait3A_236, %dma_wait3A_237] : memref<10240x1024xf32, #tpu.memory_space<hbm>> -> memref<10240x1024xf32, #tpu.memory_space<hbm>>
    tpu.wait_indirect_dma semaphore(%arg18 : memref<!tpu.dma_semaphore, #tpu.memory_space<semaphore_mem>>) src(%arg15 : memref<32x1024xf32, #tpu.memory_space<vmem>>) dst(%dma_wait3A_238 : memref<10240x1024xf32, #tpu.memory_space<hbm>>)
    return
  }
}

module attributes {stable_mosaic.version = 14 : i64} {
  func.func @_classifier_body(%arg0: i32, %arg1: memref<1024x1024xf32, #tpu.memory_space<vmem>>, %arg2: memref<1024x512xbf16, #tpu.memory_space<vmem>>, %arg3: memref<1x512xf32, #tpu.memory_space<vmem>>, %arg4: memref<512x8xbf16, #tpu.memory_space<vmem>>, %arg5: memref<1x8xf32, #tpu.memory_space<vmem>>, %arg6: memref<1024x1024xbf16, #tpu.memory_space<vmem>>, %arg7: memref<1024xi32, #tpu.memory_space<vmem>>, %arg8: memref<1024xi32, #tpu.memory_space<vmem>>, %arg9: memref<1x8xi32, #tpu.memory_space<vmem>>, %arg10: memref<1x8xi32, #tpu.memory_space<vmem>>) attributes {dimension_semantics = [#tpu.dimension_semantics<arbitrary>], iteration_bounds = array<i64: 8>, scalar_prefetch = 0 : i64, scratch_operands = 1 : i64, tpu.core_type = #tpu.core_type<tc>, window_params = [{transform_indices = @transform_0, window_bounds = array<i64: 1024, 1024>}, {pipeline_mode = #tpu.pipeline_mode<synchronous>, transform_indices = @transform_1, window_bounds = array<i64: 1024, 512>}, {pipeline_mode = #tpu.pipeline_mode<synchronous>, transform_indices = @transform_2, window_bounds = array<i64: 1, 512>}, {pipeline_mode = #tpu.pipeline_mode<synchronous>, transform_indices = @transform_3, window_bounds = array<i64: 512, 8>}, {pipeline_mode = #tpu.pipeline_mode<synchronous>, transform_indices = @transform_4, window_bounds = array<i64: 1, 8>}, {pipeline_mode = #tpu.pipeline_mode<synchronous>, transform_indices = @transform_5, window_bounds = array<i64: 1024, 1024>}, {transform_indices = @transform_6, window_bounds = array<i64: 1024>}, {transform_indices = @transform_7, window_bounds = array<i64: 1024>}, {pipeline_mode = #tpu.pipeline_mode<synchronous>, transform_indices = @transform_8, window_bounds = array<i64: 1, 8>}]} {
    %get3A = arith.constant 0 : index
    %get3A_0 = arith.constant 0 : index
    %get3A_1 = vector.load %arg1[%get3A, %get3A_0] : memref<1024x1024xf32, #tpu.memory_space<vmem>>, vector<1024x1024xf32>
    %get3A_2 = arith.constant 0 : index
    %get3A_3 = arith.constant 0 : index
    %get3A_4 = vector.load %arg2[%get3A_2, %get3A_3] : memref<1024x512xbf16, #tpu.memory_space<vmem>>, vector<1024x512xbf16>
    %convert_element_type3A = arith.truncf %get3A_1 : vector<1024x1024xf32> to vector<1024x1024xbf16>
    %dot_general3A = arith.constant dense<0.000000e+00> : vector<1024x512xf32>
    %dot_general3A_5 = tpu.matmul %convert_element_type3A, %get3A_4, %dot_general3A {dimension_numbers = #tpu.dot_dimension_numbers<[1], [0], [0], [1], [0, 0, 1, 1], [], []>, transpose_lhs_hint = false} : vector<1024x1024xbf16>, vector<1024x512xbf16>, vector<1024x512xf32> -> vector<1024x512xf32>
    %get3A_6 = arith.constant 0 : index
    %get3A_7 = arith.constant 0 : index
    %get3A_8 = vector.load %arg3[%get3A_6, %get3A_7] : memref<1x512xf32, #tpu.memory_space<vmem>>, vector<1x512xf32>
    %add3A = vector.broadcast %get3A_8 : vector<1x512xf32> to vector<1024x512xf32>
    %add3A_9 = arith.addf %dot_general3A_5, %add3A : vector<1024x512xf32>
    %max3A = arith.constant 0.000000e+00 : f32
    %max3A_10 = vector.broadcast %max3A : f32 to vector<1024x512xf32>
    %max3A_11 = arith.maximumf %add3A_9, %max3A_10 : vector<1024x512xf32>
    %get3A_12 = arith.constant 0 : index
    %get3A_13 = arith.constant 0 : index
    %get3A_14 = vector.load %arg4[%get3A_12, %get3A_13] : memref<512x8xbf16, #tpu.memory_space<vmem>>, vector<512x8xbf16>
    %convert_element_type3A_15 = arith.truncf %max3A_11 : vector<1024x512xf32> to vector<1024x512xbf16>
    %dot_general3A_16 = arith.constant dense<0.000000e+00> : vector<1024x8xf32>
    %dot_general3A_17 = tpu.matmul %convert_element_type3A_15, %get3A_14, %dot_general3A_16 {dimension_numbers = #tpu.dot_dimension_numbers<[1], [0], [0], [1], [0, 0, 1, 1], [], []>, transpose_lhs_hint = false} : vector<1024x512xbf16>, vector<512x8xbf16>, vector<1024x8xf32> -> vector<1024x8xf32>
    %get3A_18 = arith.constant 0 : index
    %get3A_19 = arith.constant 0 : index
    %get3A_20 = vector.load %arg5[%get3A_18, %get3A_19] : memref<1x8xf32, #tpu.memory_space<vmem>>, vector<1x8xf32>
    %add3A_21 = vector.broadcast %get3A_20 : vector<1x8xf32> to vector<1024x8xf32>
    %add3A_22 = arith.addf %dot_general3A_17, %add3A_21 : vector<1024x8xf32>
    %argmax3A = tpu.reduce_index %add3A_22 {axis = 1 : i32, kind = #tpu.reduction_kind<arg_max>} : vector<1024x8xf32> -> vector<1024xi32>
    %broadcast_in_dim3A = vector.shape_cast %argmax3A : vector<1024xi32> to vector<1024x1xi32>
    %iota3A = tpu.iota {dimensions = array<i32: 1>} : vector<1024x8xi32>
    %eq3A = vector.broadcast %broadcast_in_dim3A : vector<1024x1xi32> to vector<1024x8xi32>
    %eq3A_23 = arith.cmpi eq, %eq3A, %iota3A : vector<1024x8xi32>
    %convert_element_type3A_24 = arith.extui %eq3A_23 : vector<1024x8xi1> to vector<1024x8xi32>
    %convert_element_type3A_25 = arith.sitofp %convert_element_type3A_24 : vector<1024x8xi32> to vector<1024x8xf32>
    %get3A_26 = arith.constant 0 : index
    %get3A_27 = arith.constant 0 : index
    %get3A_28 = vector.load %arg6[%get3A_26, %get3A_27] : memref<1024x1024xbf16, #tpu.memory_space<vmem>>, vector<1024x1024xbf16>
    %convert_element_type3A_29 = arith.truncf %convert_element_type3A_25 : vector<1024x8xf32> to vector<1024x8xbf16>
    %dot_general3A_30 = arith.constant dense<0.000000e+00> : vector<1024x8xf32>
    %dot_general3A_31 = tpu.matmul %get3A_28, %convert_element_type3A_29, %dot_general3A_30 {dimension_numbers = #tpu.dot_dimension_numbers<[1], [0], [0], [1], [0, 0, 1, 1], [], []>, transpose_lhs_hint = false} : vector<1024x1024xbf16>, vector<1024x8xbf16>, vector<1024x8xf32> -> vector<1024x8xf32>
    %mul3A = arith.mulf %dot_general3A_31, %convert_element_type3A_25 : vector<1024x8xf32>
    %reduce_sum3A = arith.constant dense<0.000000e+00> : vector<1024xf32>
    %reduce_sum3A_32 = vector.multi_reduction <add>, %mul3A, %reduce_sum3A [1] : vector<1024x8xf32> to vector<1024xf32>
    %convert_element_type3A_33 = arith.fptosi %reduce_sum3A_32 : vector<1024xf32> to vector<1024xi32>
    %eq3A_34 = arith.constant 0 : i32
    %eq3A_35 = arith.cmpi eq, %arg0, %eq3A_34 : i32
    %convert_element_type3A_36 = arith.extui %eq3A_35 : i1 to i32
    %cond3A = arith.constant 0 : i32
    %cond3A_37 = arith.cmpi ne, %convert_element_type3A_36, %cond3A : i32
    scf.if %cond3A_37 {
      %broadcast_in_dim3A_62 = arith.constant 0 : i32
      %broadcast_in_dim3A_63 = vector.broadcast %broadcast_in_dim3A_62 : i32 to vector<1x8xi32>
      %swap3A_64 = arith.constant 0 : index
      %swap3A_65 = arith.constant 0 : index
      %swap3A_66 = vector.load %arg10[%swap3A_64, %swap3A_65] : memref<1x8xi32, #tpu.memory_space<vmem>>, vector<1x8xi32>
      tpu.vector_store %arg10[%swap3A_64, %swap3A_65], %broadcast_in_dim3A_63 {strides = array<i32>} : memref<1x8xi32, #tpu.memory_space<vmem>>, vector<1x8xi32>,
    } else {
    }
    %get3A_38 = arith.constant 0 : index
    %get3A_39 = arith.constant 0 : index
    %get3A_40 = vector.load %arg10[%get3A_38, %get3A_39] : memref<1x8xi32, #tpu.memory_space<vmem>>, vector<1x8xi32>
    %convert_element_type3A_41 = arith.sitofp %get3A_40 : vector<1x8xi32> to vector<1x8xf32>
    %mul3A_42 = vector.broadcast %convert_element_type3A_41 : vector<1x8xf32> to vector<1024x8xf32>
    %mul3A_43 = arith.mulf %mul3A_42, %convert_element_type3A_25 : vector<1024x8xf32>
    %reduce_sum3A_44 = arith.constant dense<0.000000e+00> : vector<1024xf32>
    %reduce_sum3A_45 = vector.multi_reduction <add>, %mul3A_43, %reduce_sum3A_44 [1] : vector<1024x8xf32> to vector<1024xf32>
    %convert_element_type3A_46 = arith.fptosi %reduce_sum3A_45 : vector<1024xf32> to vector<1024xi32>
    %add3A_47 = arith.addi %convert_element_type3A_33, %convert_element_type3A_46 : vector<1024xi32>
    %swap3A = arith.constant 0 : index
    %swap3A_48 = vector.load %arg8[%swap3A] : memref<1024xi32, #tpu.memory_space<vmem>>, vector<1024xi32>
    tpu.vector_store %arg8[%swap3A], %add3A_47 {strides = array<i32>} : memref<1024xi32, #tpu.memory_space<vmem>>, vector<1024xi32>,
    %swap3A_49 = arith.constant 0 : index
    %swap3A_50 = vector.load %arg7[%swap3A_49] : memref<1024xi32, #tpu.memory_space<vmem>>, vector<1024xi32>
    tpu.vector_store %arg7[%swap3A_49], %argmax3A {strides = array<i32>} : memref<1024xi32, #tpu.memory_space<vmem>>, vector<1024xi32>,
    %reduce_sum3A_51 = arith.constant dense<0.000000e+00> : vector<8xf32>
    %reduce_sum3A_52 = vector.multi_reduction <add>, %convert_element_type3A_25, %reduce_sum3A_51 [0] : vector<1024x8xf32> to vector<8xf32>
    %broadcast_in_dim3A_53 = vector.shape_cast %reduce_sum3A_52 : vector<8xf32> to vector<1x8xf32>
    %convert_element_type3A_54 = arith.fptosi %broadcast_in_dim3A_53 : vector<1x8xf32> to vector<1x8xi32>
    %add3A_55 = arith.addi %get3A_40, %convert_element_type3A_54 : vector<1x8xi32>
    %swap3A_56 = arith.constant 0 : index
    %swap3A_57 = arith.constant 0 : index
    %swap3A_58 = vector.load %arg10[%swap3A_56, %swap3A_57] : memref<1x8xi32, #tpu.memory_space<vmem>>, vector<1x8xi32>
    tpu.vector_store %arg10[%swap3A_56, %swap3A_57], %add3A_55 {strides = array<i32>} : memref<1x8xi32, #tpu.memory_space<vmem>>, vector<1x8xi32>,
    %swap3A_59 = arith.constant 0 : index
    %swap3A_60 = arith.constant 0 : index
    %swap3A_61 = vector.load %arg9[%swap3A_59, %swap3A_60] : memref<1x8xi32, #tpu.memory_space<vmem>>, vector<1x8xi32>
    tpu.vector_store %arg9[%swap3A_59, %swap3A_60], %add3A_55 {strides = array<i32>} : memref<1x8xi32, #tpu.memory_space<vmem>>, vector<1x8xi32>,
    return
  }
  func.func @transform_0(%arg0: i32) -> (i32, i32) {
    %c0_i32 = arith.constant 0 : i32
    %c0_i32_0 = arith.constant 0 : i32
    return %arg0, %c0_i32 : i32, i32
  }
  func.func @transform_1(%arg0: i32) -> (i32, i32) {
    %c0_i32 = arith.constant 0 : i32
    %c0_i32_0 = arith.constant 0 : i32
    %c0_i32_1 = arith.constant 0 : i32
    return %c0_i32, %c0_i32_0 : i32, i32
  }
  func.func @transform_2(%arg0: i32) -> (i32, i32) {
    %c0_i32 = arith.constant 0 : i32
    %c0_i32_0 = arith.constant 0 : i32
    %c0_i32_1 = arith.constant 0 : i32
    return %c0_i32, %c0_i32_0 : i32, i32
  }
  func.func @transform_3(%arg0: i32) -> (i32, i32) {
    %c0_i32 = arith.constant 0 : i32
    %c0_i32_0 = arith.constant 0 : i32
    %c0_i32_1 = arith.constant 0 : i32
    return %c0_i32, %c0_i32_0 : i32, i32
  }
  func.func @transform_4(%arg0: i32) -> (i32, i32) {
    %c0_i32 = arith.constant 0 : i32
    %c0_i32_0 = arith.constant 0 : i32
    %c0_i32_1 = arith.constant 0 : i32
    return %c0_i32, %c0_i32_0 : i32, i32
  }
  func.func @transform_5(%arg0: i32) -> (i32, i32) {
    %c0_i32 = arith.constant 0 : i32
    %c0_i32_0 = arith.constant 0 : i32
    %c0_i32_1 = arith.constant 0 : i32
    return %c0_i32, %c0_i32_0 : i32, i32
  }
  func.func @transform_6(%arg0: i32) -> i32 {
    %c0_i32 = arith.constant 0 : i32
    return %arg0 : i32
  }
  func.func @transform_7(%arg0: i32) -> i32 {
    %c0_i32 = arith.constant 0 : i32
    return %arg0 : i32
  }
  func.func @transform_8(%arg0: i32) -> (i32, i32) {
    %c0_i32 = arith.constant 0 : i32
    %c0_i32_0 = arith.constant 0 : i32
    %c0_i32_1 = arith.constant 0 : i32
    return %c0_i32, %c0_i32_0 : i32, i32
  }
}

module attributes {stable_mosaic.version = 14 : i64} {
  func.func @_expert_body(%arg0: i32, %arg1: memref<40xi32, #tpu.memory_space<smem>>, %arg2: memref<40xi32, #tpu.memory_space<smem>>, %arg3: memref<256x1024xf32, #tpu.memory_space<vmem>>, %arg4: memref<1x1024x2048xbf16, #tpu.memory_space<vmem>>, %arg5: memref<1x1x2048xf32, #tpu.memory_space<vmem>>, %arg6: memref<1x2048x1024xbf16, #tpu.memory_space<vmem>>, %arg7: memref<1x1x1024xf32, #tpu.memory_space<vmem>>, %arg8: memref<256x1024xf32, #tpu.memory_space<vmem>>) attributes {dimension_semantics = [#tpu.dimension_semantics<arbitrary>], iteration_bounds = array<i64: 40>, scalar_prefetch = 2 : i64, scratch_operands = 0 : i64, tpu.core_type = #tpu.core_type<tc>, window_params = [{transform_indices = @transform_0, window_bounds = array<i64: 256, 1024>}, {transform_indices = @transform_1, window_bounds = array<i64: 1, 1024, 2048>}, {transform_indices = @transform_2, window_bounds = array<i64: 1, 1, 2048>}, {transform_indices = @transform_3, window_bounds = array<i64: 1, 2048, 1024>}, {transform_indices = @transform_4, window_bounds = array<i64: 1, 1, 1024>}, {transform_indices = @transform_5, window_bounds = array<i64: 256, 1024>}]} {
    %get3A = arith.index_cast %arg0 : i32 to index
    %get3A_0 = memref.load %arg2[%get3A] : memref<40xi32, #tpu.memory_space<smem>>
    %eq3A = arith.constant 1 : i32
    %eq3A_1 = arith.cmpi eq, %get3A_0, %eq3A : i32
    %convert_element_type3A = arith.extui %eq3A_1 : i1 to i32
    %cond3A = arith.constant 0 : i32
    %cond3A_2 = arith.cmpi ne, %convert_element_type3A, %cond3A : i32
    scf.if %cond3A_2 {
      %get3A_3 = arith.constant 0 : index
      %get3A_4 = arith.constant 0 : index
      %get3A_5 = vector.load %arg3[%get3A_3, %get3A_4] : memref<256x1024xf32, #tpu.memory_space<vmem>>, vector<256x1024xf32>
      %get3A_6 = arith.constant 0 : index
      %get3A_7 = arith.constant 0 : index
      %get3A_8 = arith.constant 0 : index
      %get3A_9 = vector.load %arg4[%get3A_6, %get3A_7, %get3A_8] : memref<1x1024x2048xbf16, #tpu.memory_space<vmem>>, vector<1x1024x2048xbf16>
      %get3A_10 = vector.shape_cast %get3A_9 : vector<1x1024x2048xbf16> to vector<1024x2048xbf16>
      %convert_element_type3A_11 = arith.truncf %get3A_5 : vector<256x1024xf32> to vector<256x1024xbf16>
      %dot_general3A = arith.constant dense<0.000000e+00> : vector<256x2048xf32>
      %dot_general3A_12 = tpu.matmul %convert_element_type3A_11, %get3A_10, %dot_general3A {dimension_numbers = #tpu.dot_dimension_numbers<[1], [0], [0], [1], [0, 0, 1, 1], [], []>, transpose_lhs_hint = false} : vector<256x1024xbf16>, vector<1024x2048xbf16>, vector<256x2048xf32> -> vector<256x2048xf32>
      %get3A_13 = arith.constant 0 : index
      %get3A_14 = arith.constant 0 : index
      %get3A_15 = arith.constant 0 : index
      %get3A_16 = vector.load %arg5[%get3A_13, %get3A_14, %get3A_15] : memref<1x1x2048xf32, #tpu.memory_space<vmem>>, vector<1x1x2048xf32>
      %get3A_17 = vector.shape_cast %get3A_16 : vector<1x1x2048xf32> to vector<1x2048xf32>
      %add3A = vector.broadcast %get3A_17 : vector<1x2048xf32> to vector<256x2048xf32>
      %add3A_18 = arith.addf %dot_general3A_12, %add3A : vector<256x2048xf32>
      %max3A = arith.constant 0.000000e+00 : f32
      %max3A_19 = vector.broadcast %max3A : f32 to vector<256x2048xf32>
      %max3A_20 = arith.maximumf %add3A_18, %max3A_19 : vector<256x2048xf32>
      %get3A_21 = arith.constant 0 : index
      %get3A_22 = arith.constant 0 : index
      %get3A_23 = arith.constant 0 : index
      %get3A_24 = vector.load %arg6[%get3A_21, %get3A_22, %get3A_23] : memref<1x2048x1024xbf16, #tpu.memory_space<vmem>>, vector<1x2048x1024xbf16>
      %get3A_25 = vector.shape_cast %get3A_24 : vector<1x2048x1024xbf16> to vector<2048x1024xbf16>
      %convert_element_type3A_26 = arith.truncf %max3A_20 : vector<256x2048xf32> to vector<256x2048xbf16>
      %dot_general3A_27 = arith.constant dense<0.000000e+00> : vector<256x1024xf32>
      %dot_general3A_28 = tpu.matmul %convert_element_type3A_26, %get3A_25, %dot_general3A_27 {dimension_numbers = #tpu.dot_dimension_numbers<[1], [0], [0], [1], [0, 0, 1, 1], [], []>, transpose_lhs_hint = false} : vector<256x2048xbf16>, vector<2048x1024xbf16>, vector<256x1024xf32> -> vector<256x1024xf32>
      %get3A_29 = arith.constant 0 : index
      %get3A_30 = arith.constant 0 : index
      %get3A_31 = arith.constant 0 : index
      %get3A_32 = vector.load %arg7[%get3A_29, %get3A_30, %get3A_31] : memref<1x1x1024xf32, #tpu.memory_space<vmem>>, vector<1x1x1024xf32>
      %get3A_33 = vector.shape_cast %get3A_32 : vector<1x1x1024xf32> to vector<1x1024xf32>
      %add3A_34 = vector.broadcast %get3A_33 : vector<1x1024xf32> to vector<256x1024xf32>
      %add3A_35 = arith.addf %dot_general3A_28, %add3A_34 : vector<256x1024xf32>
      %swap3A = arith.constant 0 : index
      %swap3A_36 = arith.constant 0 : index
      %swap3A_37 = vector.load %arg8[%swap3A, %swap3A_36] : memref<256x1024xf32, #tpu.memory_space<vmem>>, vector<256x1024xf32>
      tpu.vector_store %arg8[%swap3A, %swap3A_36], %add3A_35 {strides = array<i32>} : memref<256x1024xf32, #tpu.memory_space<vmem>>, vector<256x1024xf32>,
    } else {
    }
    return
  }
  func.func @transform_0(%arg0: i32, %arg1: memref<40xi32, #tpu.memory_space<smem>>, %arg2: memref<40xi32, #tpu.memory_space<smem>>) -> (i32, i32) {
    %c0_i32 = arith.constant 0 : i32
    %c0_i32_0 = arith.constant 0 : i32
    return %arg0, %c0_i32 : i32, i32
  }
  func.func @transform_1(%arg0: i32, %arg1: memref<40xi32, #tpu.memory_space<smem>>, %arg2: memref<40xi32, #tpu.memory_space<smem>>) -> (i32, i32, i32) {
    %get3A = arith.index_cast %arg0 : i32 to index
    %get3A_0 = memref.load %arg1[%get3A] : memref<40xi32, #tpu.memory_space<smem>>
    %c0_i32 = arith.constant 0 : i32
    %c0_i32_1 = arith.constant 0 : i32
    %c0_i32_2 = arith.constant 0 : i32
    return %get3A_0, %c0_i32, %c0_i32_1 : i32, i32, i32
  }
  func.func @transform_2(%arg0: i32, %arg1: memref<40xi32, #tpu.memory_space<smem>>, %arg2: memref<40xi32, #tpu.memory_space<smem>>) -> (i32, i32, i32) {
    %get3A = arith.index_cast %arg0 : i32 to index
    %get3A_0 = memref.load %arg1[%get3A] : memref<40xi32, #tpu.memory_space<smem>>
    %c0_i32 = arith.constant 0 : i32
    %c0_i32_1 = arith.constant 0 : i32
    %c0_i32_2 = arith.constant 0 : i32
    return %get3A_0, %c0_i32, %c0_i32_1 : i32, i32, i32
  }
  func.func @transform_3(%arg0: i32, %arg1: memref<40xi32, #tpu.memory_space<smem>>, %arg2: memref<40xi32, #tpu.memory_space<smem>>) -> (i32, i32, i32) {
    %get3A = arith.index_cast %arg0 : i32 to index
    %get3A_0 = memref.load %arg1[%get3A] : memref<40xi32, #tpu.memory_space<smem>>
    %c0_i32 = arith.constant 0 : i32
    %c0_i32_1 = arith.constant 0 : i32
    %c0_i32_2 = arith.constant 0 : i32
    return %get3A_0, %c0_i32, %c0_i32_1 : i32, i32, i32
  }
  func.func @transform_4(%arg0: i32, %arg1: memref<40xi32, #tpu.memory_space<smem>>, %arg2: memref<40xi32, #tpu.memory_space<smem>>) -> (i32, i32, i32) {
    %get3A = arith.index_cast %arg0 : i32 to index
    %get3A_0 = memref.load %arg1[%get3A] : memref<40xi32, #tpu.memory_space<smem>>
    %c0_i32 = arith.constant 0 : i32
    %c0_i32_1 = arith.constant 0 : i32
    %c0_i32_2 = arith.constant 0 : i32
    return %get3A_0, %c0_i32, %c0_i32_1 : i32, i32, i32
  }
  func.func @transform_5(%arg0: i32, %arg1: memref<40xi32, #tpu.memory_space<smem>>, %arg2: memref<40xi32, #tpu.memory_space<smem>>) -> (i32, i32) {
    %c0_i32 = arith.constant 0 : i32
    %c0_i32_0 = arith.constant 0 : i32
    return %arg0, %c0_i32 : i32, i32
  }
}

</mosaic_0001>

<sc_bundles>
// kernel: kernel.6.cloned.1.call-start
scs
__scs_entry_jumppad:
0x0: {  	(pc) =	sbr.rel $0x88, $3  }
0x1: {  	(tag) =	ssettag $0x0;
	lr =	simm.s32 $0x1  }
0x2: {  	[smem:$0x3F98] =	sst lr;
	_ =	strace $0xD0000000  }
0x3: {  	_ = 	snop  }
0x4: {  	_ = 	snop  }
0x5: {  	_ = 	snop  }
0x6: {  	_ = 	snop  }
0x7: {  	_ = 	snop  }
__scs_overlays_trampoline_lowered:
0x8: {  	[smem:$0x3FA7] =	sst s0  }
0x9: {  	[smem:$0x3FA8] =	sst s1  }
0xa: {  	[smem:$0x3FA9] =	sst s2  }
0xb: {  	[smem:$0x3FAA] =	sst s3  }
0xc: {  	[smem:$0x3FAB] =	sst s4  }
0xd: {  	[smem:$0x3FAC] =	sst s5  }
0xe: {  	[smem:$0x3FAD] =	sst s6  }
0xf: {  	[smem:$0x3FAE] =	sst s7  }
0x10: {  	[smem:$0x3FAF] =	sst s8  }
0x11: {  	[smem:$0x3FB0] =	sst s9;
	s0 =	simm.s32 @!p0 $0x0  }
0x12: {  	s1 =	sld [smem:$0x3F96];
	s0 =	simm.s32 @p0 $0x1  }
0x13: {  	[smem:$0x3FB1] =	sst s0;
	s0 =	simm.s32 @!p1 $0x0  }
0x14: {  	s2 =	sld [smem:$0x3F95];
	s0 =	simm.s32 @p1 $0x1  }
0x15: {  	[smem:$0x3FB2] =	sst s0;
	s0 =	simm.s32 @!p2 $0x0  }
0x16: {  	s3 =	sld [smem:$0x3FDB];
	s0 =	simm.s32 @p2 $0x1  }
0x17: {  	s4 =	simm.s32 $0x1BF5;
	[smem:$0x3FB4] =	sst s0  }
0x18: {  	s0 =	sld [smem:$0x3F97];
	_ =	swait.ge [sflag:s4], $0x0  }
0x19: {  	s7 =	sld [smem:$0x3F98]  }
0x1a: {  	s8 =	sadd.s32 $0xFFFFE003, lr  }
0x1b: {  	s9 =	sadd.s32 $0xFFFFFEF7, lr;
	s5 =	simm.s32 $0xFFFFFFFF;
	p2 =	slt.u32 s8, $0xFFFFF086  }
0x1c: {  	p1 =	slt.u32 s9, $0xF7A;
	s5 =	simm.s32 @!p2 $0x0  }
0x1d: {  	s5 =	simm.s32 @p1 $0x1;
	p0 =	seq.s32 s7, s2  }
0x1e: {  	s7 =	smul.u32 @!p0 $0xF7A, s2;
	p2 =	seq.s32 @!p0 s5, $0x0  }
0x1f: {  	s9 =	smul.u32 $0xF7A, s1;
	s8 =	simm.s32 @!p0 $0x1BF5;
	p2 =	por !p2, p0  }
0x20: {  	[sflag:s8] =	ssyncset.s32 @!p0 $0xFFFFF086;
	s6 =	sadd.s32 @!p0 s3, s7;
	s7 =	simm.s32 @!p0 $0x108  }
0x21: {  	s3 =	sadd.s32 s3, s9;
	s6 =	sadd.s32 @!p0 $0x88, s6;
	s7 =	simm.s32 @p2 $0x1082  }
0x22: {  	[simem:s7], [sflag:s8] =	dma.local @!p0 [hbm:s6], $0xF7A  }
0x23: {  	s9 =	sor.u32 $0xD0000000, s2;
	s6 =	simm.s32 $0x108;
	_ =	swait.ge @!p0 [sflag:s8], $0x0  }
0x24: {  	s3 =	sadd.s32 $0x88, s3;
	s6 =	simm.s32 @!p1 $0x1082;
	[sflag:s4] =	ssyncset.s32 $0xFFFFF086  }
0x25: {  	[simem:s6], [sflag:s4] =	dma.local [hbm:s3], $0xF7A  }
0x26: {  	[smem:$0x3F98] =	sst s1;
	(tag) =	ssettag s2;
	_ =	strace s9  }
0x27: {  	s1 =	sld [smem:$0x3FA8]  }
0x28: {  	s2 =	sld [smem:$0x3FA9]  }
0x29: {  	s4 =	sld [smem:$0x3FAB]  }
0x2a: {  	p0 =	seq.s32 s5, $0x0;
	s5 =	sld [smem:$0x3FAC]  }
0x2b: {  	s6 =	sld [smem:$0x3FAD]  }
0x2c: {  	s7 =	sld [smem:$0x3FAE]  }
0x2d: {  	s3 =	simm.s32 $0x108;
	s8 =	sld [smem:$0x3FAF]  }
0x2e: {  	s3 =	simm.s32 @!p0 $0x1082;
	s9 =	sld [smem:$0x3FB0]  }
0x2f: {  	lr =	sadd.s32 s0, s3;
	s0 =	sld [smem:$0x3FA7]  }
0x30: {  	s3 =	sld [smem:$0x3FAA]  }
0x31: {  	[smem:$0x3FB3] =	sst s10  }
0x32: {  	s10 =	sld [smem:$0x3FB1];
	_ =	sdelay $0x3  }
0x33: {  	p0 =	seq.s32 s10, $0x1;
	s10 =	sld [smem:$0x3FB3];
	_ =	sdelay $0x3  }
0x34: {  	[smem:$0x3FB3] =	sst s10  }
0x35: {  	s10 =	sld [smem:$0x3FB2];
	_ =	sdelay $0x3  }
0x36: {  	p1 =	seq.s32 s10, $0x1;
	s10 =	sld [smem:$0x3FB3];
	_ =	sdelay $0x3  }
0x37: {  	[smem:$0x3FB3] =	sst s10  }
0x38: {  	s10 =	sld [smem:$0x3FB4]  }
0x39: {  	_ = 	snop;
	(pc) =	sbr.ind lr, $3  }
0x3a: {  	_ = 	snop  }
0x3b: {  	_ = 	snop  }
0x3c: {  	p2 =	seq.s32 s10, $0x1;
	s10 =	sld [smem:$0x3FB3]  }
0x3d: {  	_ =	shalt  }
0x3e: {  	_ =	shalt  }
0x3f: {  	_ =	shalt  }
0x40: {  	_ =	shalt  }
0x41: {  	_ =	shalt  }
0x42: {  	_ =	shalt  }
0x43: {  	_ =	shalt  }
0x44: {  	_ =	shalt  }
0x45: {  	_ =	shalt  }
0x46: {  	_ =	shalt  }
0x47: {  	_ =	shalt  }
0x48: {  	_ =	shalt  }
0x49: {  	_ =	shalt  }
0x4a: {  	_ =	shalt  }
0x4b: {  	_ =	shalt  }
0x4c: {  	_ =	shalt  }
0x4d: {  	_ =	shalt  }
0x4e: {  	_ =	shalt  }
0x4f: {  	_ =	shalt  }
0x50: {  	_ =	shalt  }
0x51: {  	_ =	shalt  }
0x52: {  	_ =	shalt  }
0x53: {  	_ =	shalt  }
0x54: {  	_ =	shalt  }
0x55: {  	_ =	shalt  }
0x56: {  	_ =	shalt  }
0x57: {  	_ =	shalt  }
0x58: {  	_ =	shalt  }
0x59: {  	_ =	shalt  }
0x5a: {  	_ =	shalt  }
0x5b: {  	_ =	shalt  }
0x5c: {  	_ =	shalt  }
0x5d: {  	_ =	shalt  }
0x5e: {  	_ =	shalt  }
0x5f: {  	_ =	shalt  }
0x60: {  	_ =	shalt  }
0x61: {  	_ =	shalt  }
0x62: {  	_ =	shalt  }
0x63: {  	_ =	shalt  }
0x64: {  	_ =	shalt  }
0x65: {  	_ =	shalt  }
0x66: {  	_ =	shalt  }
0x67: {  	_ =	shalt  }
0x68: {  	_ =	shalt  }
0x69: {  	_ =	shalt  }
0x6a: {  	_ =	shalt  }
0x6b: {  	_ =	shalt  }
0x6c: {  	_ =	shalt  }
0x6d: {  	_ =	shalt  }
0x6e: {  	_ =	shalt  }
0x6f: {  	_ =	shalt  }
0x70: {  	_ =	shalt  }
0x71: {  	_ =	shalt  }
0x72: {  	_ =	shalt  }
0x73: {  	_ =	shalt  }
0x74: {  	_ =	shalt  }
0x75: {  	_ =	shalt  }
0x76: {  	_ =	shalt  }
0x77: {  	_ =	shalt  }
0x78: {  	_ =	shalt  }
0x79: {  	_ =	shalt  }
0x7a: {  	_ =	shalt  }
0x7b: {  	_ =	shalt  }
0x7c: {  	_ =	shalt  }
0x7d: {  	_ =	shalt  }
0x7e: {  	_ =	shalt  }
0x7f: {  	_ =	shalt  }
0x80: {  	_ =	shalt  }
0x81: {  	_ =	shalt  }
0x82: {  	_ =	shalt  }
0x83: {  	_ =	shalt  }
0x84: {  	_ =	shalt  }
0x85: {  	_ =	shalt  }
0x86: {  	_ =	shalt  }
0x87: {  	_ =	shalt  }
.Lfunc_end0:
.L_simem_size_0:
called_computation_lowered:
.L_overlay_start_0:
0x88: {  	s2 =	sld [smem:$0x3FD9]  }
0x89: {  	s3 =	sld [smem:$0x3FFE];
	_ =	sdelay $0x1  }
0x8a: {  	s1 =	srdreg.scid  }
0x8b: {  	s0 =	sand.u32 $0x1, s1  }
0x8c: {  	s17 =	sshll.u32 s0, $0xA;
	s2 =	sadd.s32 s3, s2  }
0x8d: {  	s2 =	sadd.s32 s2, s17  }
0x8e: {  	[smem:$0x3FBF] =	sst s2  }
0x8f: {  	_ = 	snop  }
0x90: {  	s2 =	sld [smem:$0x3FC9];
	(tm) =	ssettm $0x1  }
0x91: {  	s18 =	sld [smem:$0x3FFB];
	_ =	sdelay $0x3  }
0x92: {  	_ =	strace s18  }
0x93: {  	s3 =	sld [smem:$0x3FFC];
	_ =	sdelay $0x3  }
0x94: {  	_ =	strace s3  }
0x95: {  	s3 =	sld [smem:$0x3FFD];
	_ =	sdelay $0x3  }
0x96: {  	_ =	strace s3  }
0x97: {  	_ =	strace $0x8FFFFFFF  }
0x98: {  	s19 =	sld [smem:$0x3FDB];
	_ =	sdelay $0x1  }
0x99: {  	s4 =	simm.s32 $_scs_section_size  }
0x9a: {  	s5 =	simm.s32 $_size__tile_overlayer_lowered;
	s6 =	simm.s32 $_tile_overlayer_lowered  }
0x9b: {  	s22 =	simm.s32 $0x1BFF;
	s21 =	sshll.u32 s6, $0x1;
	s3 =	sadd.s32 s4, s19  }
0x9c: {  	s7 =	simm.s32 $0x0;
	s20 =	sshll.u32 s5, $0x1;
	s5 =	sadd.s32 s21, s3  }
0x9d: {  	[timem:s7], [sflag:s22] =	dma.local [hbm:s5], s20  }
0x9e: {  	_ =	swait.ge [sflag:s22], s20  }
0x9f: {  	s4 =	ssub.s32 $0x0, s20;
	[sflag:s22] =	ssyncset.done $0x0  }
0xa0: {  	[sflag:s22] =	ssyncadd.s32 s4;
	_ =	sdelay $0x1  }
0xa1: {  	s23 =	simm.s32 $0x1B8B  }
0xa2: {  	_ =	swait.ge [sflag:s23], $0x1  }
0xa3: {  	[sflag:s23] =	ssyncset.done $0x0  }
0xa4: {  	s25 =	simm.s32 $0x1B8E;
	s24 =	sld [smem:$0x3FFE];
	[sflag:s23] =	ssyncadd.s32 $0xFFFFFFFF  }
0xa5: {  	s26 =	simm.s32 $execute0_lowered;
	[smem:$0x3FD2] =	sst s25  }
0xa6: {  	s5 =	sshll.u32 s26, $0x1;
	_ =	strace $0x80000046;
	[dreg:$0x1] =	wrdreg $0xFFFFFFFF  }
0xa7: {  	s28 =	simm.s32 $_size_execute0_lowered;
	s3 =	sadd.s32 s3, s5;
	[dreg:$0x0] =	wrdreg $0x0  }
0xa8: {  	s5 =	sshll.u32 s28, $0x1;
	[dreg:$0x2] =	wrdreg s3  }
0xa9: {  	[dreg:$0x3] =	wrdreg s5  }
0xaa: {  	[dreg:$0x4] =	wrdreg $0xC0  }
0xab: {  	_ =	task [dreg:s7], $0x5FFFF  }
0xac: {  	[dreg:$0x1] =	wrdreg $0xFFFFFFFF  }
0xad: {  	[dreg:$0x0] =	wrdreg $0x60  }
0xae: {  	[dreg:$0x2] =	wrdreg s2  }
0xaf: {  	[dreg:$0x3] =	wrdreg s24  }
0xb0: {  	[dreg:$0x4] =	wrdreg $0x9  }
0xb1: {  	_ =	task.clear_ibuf [dreg:s7], $0x5FFFF;
	_ =	strace $0x90000046  }
0xb2: {  	s29 =	simm.s32 $0x9;
	_ =	strace $0x80000048  }
0xb3: {  	_ =	swait.ge [sflag:s29], $0x1  }
0xb4: {  	[sflag:s29] =	ssyncadd.s32 $0xFFFFFFFF  }
0xb5: {  	_ =	strace $0x90000048  }
0xb6: {  	_ =	sfence  }
0xb7: {  	s30 =	sld [smem:$0x0];
	_ =	sdelay $0x2  }
0xb8: {  	s31 =	sshll.u32 s1, $0xD;
	s1 =	sshrl.u32 s1, $0x2  }
0xb9: {  	s3 =	sand.u32 $0x4000, s31;
	s1 =	sadd.s32 s1, s30  }
0xba: {  	s0 =	sor.u32 s3, s0;
	s1 =	sshll.u32 s1, $0x11  }
0xbb: {  	s0 =	sor.u32 s1, s0  }
0xbc: {  	s0 =	sadd.s32 $0x8F2B, s0  }
0xbd: {  	[sflag:s0] =	ssyncadd.remote.s32 $0x1  }
0xbe: {  	_ =	sfence.sel $0xFFFF  }
0xbf: {  	[dreg:$0x0] =	wrdreg $0xFFFFFFFF;
	(pc) =	sbr.abs _section_cstart, $3  }
0xc0: {  	[dreg:$0x1] =	wrdreg $0xFFFFFFFF  }
0xc1: {  	_ =	task.clear_ibuf [dreg:s7], $0x2FFFF;
	_ =	strace $0x9FFFFFFF  }
0xc2: {  	(tm) =	ssettm $0x7FFFFFFF  }
0xc3: {  	_ =	shalt  }
tec
execute0_lowered:
.L_overlay_start_1:
0x0: {  	(tag) =	ssettag $0x1  }
0x1: {  	s0 =	srdreg.scid;
	s1 =	rddreg [dreg:$0x0]  }
0x2: {  	s2 =	stileid.u32;
	s7 =	rddreg [dreg:$0x1];
	s0 =	sand.u32 $0x1, s0  }
0x3: {  	s11 =	simm.s32 $0x1;
	s2 =	sshll.u32 s2, $0x9;
	s3 =	sshll.u32 s0, $0x8  }
0x4: {  	s20 =	simm.s32 $0x2;
	s21 =	simm.s32 $0x3;
	s3 =	sor.u32 s3, s2  }
0x5: {  	s2 =	simm.s32 $0x0;
	s4 =	sshrl.u32 s3, $0x3;
	s3 =	sshll.u32 s3, $0x7  }
0x6: {  	[smem:$0x7FF] =	sst s2;
	s4 =	sadd.s32 s4, s7;
	s8 =	sadd.s32 s1, s3  }
0x7: {  	_ =	strace $0x80000047;
	s4 =	sadd.s32 $0x1800, s4;
	[dreg:$0xb] =	wrdreg s8  }
0x8: {  	s5 =	sadd.s32 $0x1D00, s7;
	s1 =	sadd.s32 $0x1000, s8;
	[dreg:$0x3] =	wrdreg s4  }
0x9: {  	s6 =	sadd.s32 $0x1E00, s7;
	s24 =	sadd.s32 $0x2000, s8;
	[dreg:$0x4] =	wrdreg s1  }
0xa: {  	s0 =	ssub.s32 $0x2, s0;
	s25 =	sadd.s32 $0x3000, s8;
	[dreg:$0x5] =	wrdreg s24  }
0xb: {  	s26 =	sshrl.u32 s0, $0x1;
	s28 =	sadd.s32 $0x4000, s8;
	[dreg:$0x6] =	wrdreg s25  }
0xc: {  	s0 =	ssub.s32 s0, s26;
	s29 =	sadd.s32 $0x5000, s8;
	[dreg:$0x7] =	wrdreg s28  }
0xd: {  	v2 =	vlaneseq.u32;
	s26 =	simm.s32 $0x8500;
	s30 =	sadd.s32 $0x6000, s8;
	[dreg:$0x8] =	wrdreg s29  }
0xe: {  	vm0 =	vmmov $0xffff;
	v1 =	vshrl.u32 v2, $0x3;
	s31 =	sadd.s32 $0x7000, s8;
	s8 =	smax.u32 s0, $0x1;
	[dreg:$0x9] =	wrdreg s30  }
0xf: {  	v0 =	vand.u32 $0x7, v2;
	v2 =	vor.u32 $0x8, v2;
	v1 =	vmul.u32 $0x8, v1;
	s4 =	sadd.s32 $0x1C00, s7;
	s7 =	sadd.s32 $0x1F00, s7;
	[dreg:$0xa] =	wrdreg s31  }
.LBB2_1:
0x10: {  	s22 =	rddreg [dreg:$0x3];
	s15 =	simm.s32 $0x4  }
0x11: {  	[tilespmem:s2], [sflag:$0x4] =	stream.linear.gather [hbm4b:s22+s2], $0x100, $0x38;
	[tilespmem:$0x10500] =	vst v63  }
0x12: {  	_ =	swait.ge [sflag:s15], $0x100  }
0x13: {  	[sflag:s15] =	ssyncset.done $0x0  }
0x14: {  	[sflag:s15] =	ssyncadd.s32 $0xFFFFFF00  }
0x15: {  	v3 =	vld [tilespmem:$0x0]  }
0x16: {  	v4 =	vld [tilespmem:$0x10]  }
0x17: {  	v5 =	vld [tilespmem:$0x20]  }
0x18: {  	v6 =	vld [tilespmem:$0x30]  }
0x19: {  	v7 =	vld [tilespmem:$0x40]  }
0x1a: {  	[tilespmem:$0x100] =	vst v3;
	v3 =	vld [tilespmem:$0x50]  }
0x1b: {  	v40 =	vld [tilespmem:$0x60];
	[tilespmem:$0x110] =	vst v4  }
0x1c: {  	v41 =	vld [tilespmem:$0x70];
	[tilespmem:$0x180] =	vst v5  }
0x1d: {  	v42 =	vld [tilespmem:$0x80];
	[tilespmem:$0x190] =	vst v6  }
0x1e: {  	v43 =	vld [tilespmem:$0x90];
	[tilespmem:$0x200] =	vst v7  }
0x1f: {  	[tilespmem:$0x210] =	vst v3;
	v3 =	vld [tilespmem:$0xA0]  }
0x20: {  	v44 =	vld [tilespmem:$0xB0];
	[tilespmem:$0x280] =	vst v40  }
0x21: {  	v45 =	vld [tilespmem:$0xC0];
	[tilespmem:$0x290] =	vst v41  }
0x22: {  	v46 =	vld [tilespmem:$0xD0];
	[tilespmem:$0x300] =	vst v42  }
0x23: {  	v47 =	vld [tilespmem:$0xE0];
	[tilespmem:$0x310] =	vst v43  }
0x24: {  	[tilespmem:$0x380] =	vst v3;
	v3 =	vld [tilespmem:$0xF0]  }
0x25: {  	[tilespmem:$0x390] =	vst v44  }
0x26: {  	[tilespmem:$0x400] =	vst v45  }
0x27: {  	[tilespmem:$0x410] =	vst v46  }
0x28: {  	[tilespmem:$0x480] =	vst v47  }
0x29: {  	s0 =	simm.s32 $0x500;
	s16 =	rddreg [dreg:$0xb];
	[tilespmem:$0x490] =	vst v3  }
0x2a: {  	[tilespmem:s0], [sflag:$0x1] =	stream.linear.gather [hbm4b:s16+s2], $0x8000, $0x38;
	[tilespmem:$0x10500] =	vst v63  }
0x2b: {  	_ =	swait.ge [sflag:s11], $0x8000  }
0x2c: {  	[sflag:s11] =	ssyncset.done $0x0  }
0x2d: {  	[sflag:s11] =	ssyncadd.s32 $0xFFFF8000  }
0x2e: {  	v3 =	vld [tilespmem:$0x100];
	_ =	sdelay $0x4  }
0x2f: {  	v48 =	vshll.u32 v3, $0x3  }
0x30: {  	v3 =	vand.u32 $0x7, v3;
	v4 =	vand.u32 $0xFFFFFFC0, v48  }
0x31: {  	v3 =	vor.u32 v3, v4  }
0x32: {  	v4 =	vperm.xlane v3, v0;
	_ =	sdelay $0x1  }
0x33: {  	v4 =	vadd.s32 v1, v4;
	_ =	sdelay $0x4  }
0x34: {  	[hbm4b:s4+s2] =	stream.indirect_vreg.scatter [tilespmem:s0], [sflag:$0x2], $0x80, v4, vm0, $0xb8;
	[tilespmem:$0x10500] =	vst v63  }
0x35: {  	s1 =	simm.s32 $0xD00;
	v3 =	vperm.xlane v3, v2  }
0x36: {  	[hbm4b:s5+s2] =	stream.indirect_vreg.scatter [tilespmem:s1], [sflag:$0x2], $0x80, v4, vm0, $0xb8;
	[tilespmem:$0x10500] =	vst v63  }
0x37: {  	s17 =	simm.s32 $0x1500;
	v3 =	vadd.s32 v1, v3  }
0x38: {  	[hbm4b:s6+s2] =	stream.indirect_vreg.scatter [tilespmem:s17], [sflag:$0x2], $0x80, v4, vm0, $0xb8;
	[tilespmem:$0x10500] =	vst v63  }
0x39: {  	s18 =	simm.s32 $0x1D00  }
0x3a: {  	[hbm4b:s7+s2] =	stream.indirect_vreg.scatter [tilespmem:s18], [sflag:$0x2], $0x80, v4, vm0, $0xb8;
	[tilespmem:$0x10500] =	vst v63  }
0x3b: {  	s19 =	simm.s32 $0x2500  }
0x3c: {  	[hbm4b:s4+s2] =	stream.indirect_vreg.scatter [tilespmem:s19], [sflag:$0x2], $0x80, v3, vm0, $0xb8;
	[tilespmem:$0x10500] =	vst v63  }
0x3d: {  	s22 =	simm.s32 $0x2D00  }
0x3e: {  	[hbm4b:s5+s2] =	stream.indirect_vreg.scatter [tilespmem:s22], [sflag:$0x2], $0x80, v3, vm0, $0xb8;
	[tilespmem:$0x10500] =	vst v63  }
0x3f: {  	s23 =	simm.s32 $0x3500  }
0x40: {  	[hbm4b:s6+s2] =	stream.indirect_vreg.scatter [tilespmem:s23], [sflag:$0x2], $0x80, v3, vm0, $0xb8;
	[tilespmem:$0x10500] =	vst v63  }
0x41: {  	s24 =	simm.s32 $0x3D00  }
0x42: {  	[hbm4b:s7+s2] =	stream.indirect_vreg.scatter [tilespmem:s24], [sflag:$0x2], $0x80, v3, vm0, $0xb8;
	[tilespmem:$0x10500] =	vst v63  }
0x43: {  	v3 =	vld [tilespmem:$0x110];
	_ =	sdelay $0x4  }
0x44: {  	v49 =	vshll.u32 v3, $0x3  }
0x45: {  	v3 =	vand.u32 $0x7, v3;
	v4 =	vand.u32 $0xFFFFFFC0, v49  }
0x46: {  	v3 =	vor.u32 v3, v4  }
0x47: {  	v4 =	vperm.xlane v3, v0;
	_ =	sdelay $0x1  }
0x48: {  	v4 =	vadd.s32 v1, v4;
	_ =	sdelay $0x3  }
0x49: {  	s25 =	simm.s32 $0x4500  }
0x4a: {  	[hbm4b:s4+s2] =	stream.indirect_vreg.scatter [tilespmem:s25], [sflag:$0x2], $0x80, v4, vm0, $0xb8;
	[tilespmem:$0x10500] =	vst v63  }
0x4b: {  	s29 =	simm.s32 $0x4D00;
	v3 =	vperm.xlane v3, v2  }
0x4c: {  	[hbm4b:s5+s2] =	stream.indirect_vreg.scatter [tilespmem:s29], [sflag:$0x2], $0x80, v4, vm0, $0xb8;
	[tilespmem:$0x10500] =	vst v63  }
0x4d: {  	s30 =	simm.s32 $0x5500;
	v3 =	vadd.s32 v1, v3  }
0x4e: {  	[hbm4b:s6+s2] =	stream.indirect_vreg.scatter [tilespmem:s30], [sflag:$0x2], $0x80, v4, vm0, $0xb8;
	[tilespmem:$0x10500] =	vst v63  }
0x4f: {  	s31 =	simm.s32 $0x5D00  }
0x50: {  	[hbm4b:s7+s2] =	stream.indirect_vreg.scatter [tilespmem:s31], [sflag:$0x2], $0x80, v4, vm0, $0xb8;
	[tilespmem:$0x10500] =	vst v63  }
0x51: {  	s10 =	simm.s32 $0x6500  }
0x52: {  	[hbm4b:s4+s2] =	stream.indirect_vreg.scatter [tilespmem:s10], [sflag:$0x2], $0x80, v3, vm0, $0xb8;
	[tilespmem:$0x10500] =	vst v63  }
0x53: {  	s15 =	simm.s32 $0x6D00  }
0x54: {  	[hbm4b:s5+s2] =	stream.indirect_vreg.scatter [tilespmem:s15], [sflag:$0x2], $0x80, v3, vm0, $0xb8;
	[tilespmem:$0x10500] =	vst v63  }
0x55: {  	s16 =	simm.s32 $0x7500  }
0x56: {  	[hbm4b:s6+s2] =	stream.indirect_vreg.scatter [tilespmem:s16], [sflag:$0x2], $0x80, v3, vm0, $0xb8;
	[tilespmem:$0x10500] =	vst v63  }
0x57: {  	s18 =	simm.s32 $0x7D00  }
0x58: {  	[hbm4b:s7+s2] =	stream.indirect_vreg.scatter [tilespmem:s18], [sflag:$0x2], $0x80, v3, vm0, $0xb8;
	[tilespmem:$0x10500] =	vst v63  }
0x59: {  	s17 =	rddreg [dreg:$0x4]  }
0x5a: {  	[tilespmem:s26], [sflag:$0x1] =	stream.linear.gather [hbm4b:s17+s2], $0x8000, $0x38;
	[tilespmem:$0x10500] =	vst v63  }
0x5b: {  	_ =	swait.ge [sflag:s11], $0x8000  }
0x5c: {  	[sflag:s11] =	ssyncset.done $0x0  }
0x5d: {  	[sflag:s11] =	ssyncadd.s32 $0xFFFF8000  }
0x5e: {  	v3 =	vld [tilespmem:$0x180];
	_ =	sdelay $0x4  }
0x5f: {  	v50 =	vshll.u32 v3, $0x3  }
0x60: {  	v3 =	vand.u32 $0x7, v3;
	v4 =	vand.u32 $0xFFFFFFC0, v50  }
0x61: {  	v3 =	vor.u32 v3, v4  }
0x62: {  	v4 =	vperm.xlane v3, v0;
	_ =	sdelay $0x1  }
0x63: {  	v4 =	vadd.s32 v1, v4;
	_ =	sdelay $0x4  }
0x64: {  	[hbm4b:s4+s2] =	stream.indirect_vreg.scatter [tilespmem:s26], [sflag:$0x3], $0x80, v4, vm0, $0xb8;
	[tilespmem:$0x10500] =	vst v63  }
0x65: {  	s10 =	simm.s32 $0x8D00;
	v3 =	vperm.xlane v3, v2  }
0x66: {  	[hbm4b:s5+s2] =	stream.indirect_vreg.scatter [tilespmem:s10], [sflag:$0x3], $0x80, v4, vm0, $0xb8;
	[tilespmem:$0x10500] =	vst v63  }
0x67: {  	s19 =	simm.s32 $0x9500;
	v3 =	vadd.s32 v1, v3  }
0x68: {  	[hbm4b:s6+s2] =	stream.indirect_vreg.scatter [tilespmem:s19], [sflag:$0x3], $0x80, v4, vm0, $0xb8;
	[tilespmem:$0x10500] =	vst v63  }
0x69: {  	s22 =	simm.s32 $0x9D00  }
0x6a: {  	[hbm4b:s7+s2] =	stream.indirect_vreg.scatter [tilespmem:s22], [sflag:$0x3], $0x80, v4, vm0, $0xb8;
	[tilespmem:$0x10500] =	vst v63  }
0x6b: {  	s23 =	simm.s32 $0xA500  }
0x6c: {  	[hbm4b:s4+s2] =	stream.indirect_vreg.scatter [tilespmem:s23], [sflag:$0x3], $0x80, v3, vm0, $0xb8;
	[tilespmem:$0x10500] =	vst v63  }
0x6d: {  	s24 =	simm.s32 $0xAD00  }
0x6e: {  	[hbm4b:s5+s2] =	stream.indirect_vreg.scatter [tilespmem:s24], [sflag:$0x3], $0x80, v3, vm0, $0xb8;
	[tilespmem:$0x10500] =	vst v63  }
0x6f: {  	s25 =	simm.s32 $0xB500  }
0x70: {  	[hbm4b:s6+s2] =	stream.indirect_vreg.scatter [tilespmem:s25], [sflag:$0x3], $0x80, v3, vm0, $0xb8;
	[tilespmem:$0x10500] =	vst v63  }
0x71: {  	s31 =	simm.s32 $0xBD00  }
0x72: {  	[hbm4b:s7+s2] =	stream.indirect_vreg.scatter [tilespmem:s31], [sflag:$0x3], $0x80, v3, vm0, $0xb8;
	[tilespmem:$0x10500] =	vst v63  }
0x73: {  	v3 =	vld [tilespmem:$0x190];
	_ =	sdelay $0x4  }
0x74: {  	v51 =	vshll.u32 v3, $0x3  }
0x75: {  	v3 =	vand.u32 $0x7, v3;
	v4 =	vand.u32 $0xFFFFFFC0, v51  }
0x76: {  	v3 =	vor.u32 v3, v4  }
0x77: {  	v4 =	vperm.xlane v3, v0;
	_ =	sdelay $0x1  }
0x78: {  	v4 =	vadd.s32 v1, v4;
	_ =	sdelay $0x3  }
0x79: {  	s10 =	simm.s32 $0xC500  }
0x7a: {  	[hbm4b:s4+s2] =	stream.indirect_vreg.scatter [tilespmem:s10], [sflag:$0x3], $0x80, v4, vm0, $0xb8;
	[tilespmem:$0x10500] =	vst v63  }
0x7b: {  	s15 =	simm.s32 $0xCD00;
	v3 =	vperm.xlane v3, v2  }
0x7c: {  	[hbm4b:s5+s2] =	stream.indirect_vreg.scatter [tilespmem:s15], [sflag:$0x3], $0x80, v4, vm0, $0xb8;
	[tilespmem:$0x10500] =	vst v63  }
0x7d: {  	s16 =	simm.s32 $0xD500;
	v3 =	vadd.s32 v1, v3  }
0x7e: {  	[hbm4b:s6+s2] =	stream.indirect_vreg.scatter [tilespmem:s16], [sflag:$0x3], $0x80, v4, vm0, $0xb8;
	[tilespmem:$0x10500] =	vst v63  }
0x7f: {  	s17 =	simm.s32 $0xDD00  }
0x80: {  	[hbm4b:s7+s2] =	stream.indirect_vreg.scatter [tilespmem:s17], [sflag:$0x3], $0x80, v4, vm0, $0xb8;
	[tilespmem:$0x10500] =	vst v63  }
0x81: {  	s24 =	simm.s32 $0xE500  }
0x82: {  	[hbm4b:s4+s2] =	stream.indirect_vreg.scatter [tilespmem:s24], [sflag:$0x3], $0x80, v3, vm0, $0xb8;
	[tilespmem:$0x10500] =	vst v63  }
0x83: {  	s10 =	simm.s32 $0xED00  }
0x84: {  	[hbm4b:s5+s2] =	stream.indirect_vreg.scatter [tilespmem:s10], [sflag:$0x3], $0x80, v3, vm0, $0xb8;
	[tilespmem:$0x10500] =	vst v63  }
0x85: {  	s15 =	simm.s32 $0xF500  }
0x86: {  	[hbm4b:s6+s2] =	stream.indirect_vreg.scatter [tilespmem:s15], [sflag:$0x3], $0x80, v3, vm0, $0xb8;
	[tilespmem:$0x10500] =	vst v63  }
0x87: {  	s16 =	simm.s32 $0xFD00  }
0x88: {  	[hbm4b:s7+s2] =	stream.indirect_vreg.scatter [tilespmem:s16], [sflag:$0x3], $0x80, v3, vm0, $0xb8;
	[tilespmem:$0x10500] =	vst v63  }
0x89: {  	_ =	swait.ge [sflag:s20], $0x8000  }
0x8a: {  	[sflag:s20] =	ssyncset.done $0x0  }
0x8b: {  	s17 =	rddreg [dreg:$0x5];
	[sflag:s20] =	ssyncadd.s32 $0xFFFF8000  }
0x8c: {  	[tilespmem:s0], [sflag:$0x1] =	stream.linear.gather [hbm4b:s17+s2], $0x8000, $0x38;
	[tilespmem:$0x10500] =	vst v63  }
0x8d: {  	_ =	swait.ge [sflag:s11], $0x8000  }
0x8e: {  	[sflag:s11] =	ssyncset.done $0x0  }
0x8f: {  	[sflag:s11] =	ssyncadd.s32 $0xFFFF8000  }
0x90: {  	v3 =	vld [tilespmem:$0x200];
	_ =	sdelay $0x4  }
0x91: {  	v52 =	vshll.u32 v3, $0x3  }
0x92: {  	v3 =	vand.u32 $0x7, v3;
	v4 =	vand.u32 $0xFFFFFFC0, v52  }
0x93: {  	v3 =	vor.u32 v3, v4  }
0x94: {  	v4 =	vperm.xlane v3, v0;
	_ =	sdelay $0x1  }
0x95: {  	v4 =	vadd.s32 v1, v4;
	_ =	sdelay $0x4  }
0x96: {  	[hbm4b:s4+s2] =	stream.indirect_vreg.scatter [tilespmem:s0], [sflag:$0x2], $0x80, v4, vm0, $0xb8;
	[tilespmem:$0x10500] =	vst v63  }
0x97: {  	s28 =	simm.s32 $0xD00;
	v3 =	vperm.xlane v3, v2  }
0x98: {  	[hbm4b:s5+s2] =	stream.indirect_vreg.scatter [tilespmem:s28], [sflag:$0x2], $0x80, v4, vm0, $0xb8;
	[tilespmem:$0x10500] =	vst v63  }
0x99: {  	s3 =	simm.s32 $0x1500;
	v3 =	vadd.s32 v1, v3  }
0x9a: {  	[hbm4b:s6+s2] =	stream.indirect_vreg.scatter [tilespmem:s3], [sflag:$0x2], $0x80, v4, vm0, $0xb8;
	[tilespmem:$0x10500] =	vst v63  }
0x9b: {  	s28 =	simm.s32 $0x1D00  }
0x9c: {  	[hbm4b:s7+s2] =	stream.indirect_vreg.scatter [tilespmem:s28], [sflag:$0x2], $0x80, v4, vm0, $0xb8;
	[tilespmem:$0x10500] =	vst v63  }
0x9d: {  	s9 =	simm.s32 $0x2500  }
0x9e: {  	[hbm4b:s4+s2] =	stream.indirect_vreg.scatter [tilespmem:s9], [sflag:$0x2], $0x80, v3, vm0, $0xb8;
	[tilespmem:$0x10500] =	vst v63  }
0x9f: {  	s12 =	simm.s32 $0x2D00  }
0xa0: {  	[hbm4b:s5+s2] =	stream.indirect_vreg.scatter [tilespmem:s12], [sflag:$0x2], $0x80, v3, vm0, $0xb8;
	[tilespmem:$0x10500] =	vst v63  }
0xa1: {  	s13 =	simm.s32 $0x3500  }
0xa2: {  	[hbm4b:s6+s2] =	stream.indirect_vreg.scatter [tilespmem:s13], [sflag:$0x2], $0x80, v3, vm0, $0xb8;
	[tilespmem:$0x10500] =	vst v63  }
0xa3: {  	s14 =	simm.s32 $0x3D00  }
0xa4: {  	[hbm4b:s7+s2] =	stream.indirect_vreg.scatter [tilespmem:s14], [sflag:$0x2], $0x80, v3, vm0, $0xb8;
	[tilespmem:$0x10500] =	vst v63  }
0xa5: {  	v3 =	vld [tilespmem:$0x210];
	_ =	sdelay $0x4  }
0xa6: {  	v53 =	vshll.u32 v3, $0x3  }
0xa7: {  	v3 =	vand.u32 $0x7, v3;
	v4 =	vand.u32 $0xFFFFFFC0, v53  }
0xa8: {  	v3 =	vor.u32 v3, v4  }
0xa9: {  	v4 =	vperm.xlane v3, v0;
	_ =	sdelay $0x1  }
0xaa: {  	v4 =	vadd.s32 v1, v4;
	_ =	sdelay $0x3  }
0xab: {  	s14 =	simm.s32 $0x4500  }
0xac: {  	[hbm4b:s4+s2] =	stream.indirect_vreg.scatter [tilespmem:s14], [sflag:$0x2], $0x80, v4, vm0, $0xb8;
	[tilespmem:$0x10500] =	vst v63  }
0xad: {  	s15 =	simm.s32 $0x4D00;
	v3 =	vperm.xlane v3, v2  }
0xae: {  	[hbm4b:s5+s2] =	stream.indirect_vreg.scatter [tilespmem:s15], [sflag:$0x2], $0x80, v4, vm0, $0xb8;
	[tilespmem:$0x10500] =	vst v63  }
0xaf: {  	s9 =	simm.s32 $0x5500;
	v3 =	vadd.s32 v1, v3  }
0xb0: {  	[hbm4b:s6+s2] =	stream.indirect_vreg.scatter [tilespmem:s9], [sflag:$0x2], $0x80, v4, vm0, $0xb8;
	[tilespmem:$0x10500] =	vst v63  }
0xb1: {  	s10 =	simm.s32 $0x5D00  }
0xb2: {  	[hbm4b:s7+s2] =	stream.indirect_vreg.scatter [tilespmem:s10], [sflag:$0x2], $0x80, v4, vm0, $0xb8;
	[tilespmem:$0x10500] =	vst v63  }
0xb3: {  	s12 =	simm.s32 $0x6500  }
0xb4: {  	[hbm4b:s4+s2] =	stream.indirect_vreg.scatter [tilespmem:s12], [sflag:$0x2], $0x80, v3, vm0, $0xb8;
	[tilespmem:$0x10500] =	vst v63  }
0xb5: {  	s13 =	simm.s32 $0x6D00  }
0xb6: {  	[hbm4b:s5+s2] =	stream.indirect_vreg.scatter [tilespmem:s13], [sflag:$0x2], $0x80, v3, vm0, $0xb8;
	[tilespmem:$0x10500] =	vst v63  }
0xb7: {  	s16 =	simm.s32 $0x7500  }
0xb8: {  	[hbm4b:s6+s2] =	stream.indirect_vreg.scatter [tilespmem:s16], [sflag:$0x2], $0x80, v3, vm0, $0xb8;
	[tilespmem:$0x10500] =	vst v63  }
0xb9: {  	s17 =	simm.s32 $0x7D00  }
0xba: {  	[hbm4b:s7+s2] =	stream.indirect_vreg.scatter [tilespmem:s17], [sflag:$0x2], $0x80, v3, vm0, $0xb8;
	[tilespmem:$0x10500] =	vst v63  }
0xbb: {  	_ =	swait.ge [sflag:s21], $0x8000  }
0xbc: {  	[sflag:s21] =	ssyncset.done $0x0  }
0xbd: {  	s3 =	rddreg [dreg:$0x6];
	[sflag:s21] =	ssyncadd.s32 $0xFFFF8000  }
0xbe: {  	[tilespmem:s26], [sflag:$0x1] =	stream.linear.gather [hbm4b:s3+s2], $0x8000, $0x38;
	[tilespmem:$0x10500] =	vst v63  }
0xbf: {  	_ =	swait.ge [sflag:s11], $0x8000  }
0xc0: {  	[sflag:s11] =	ssyncset.done $0x0  }
0xc1: {  	[sflag:s11] =	ssyncadd.s32 $0xFFFF8000  }
0xc2: {  	v3 =	vld [tilespmem:$0x280];
	_ =	sdelay $0x4  }
0xc3: {  	v54 =	vshll.u32 v3, $0x3  }
0xc4: {  	v3 =	vand.u32 $0x7, v3;
	v4 =	vand.u32 $0xFFFFFFC0, v54  }
0xc5: {  	v3 =	vor.u32 v3, v4  }
0xc6: {  	v4 =	vperm.xlane v3, v0;
	_ =	sdelay $0x1  }
0xc7: {  	v4 =	vadd.s32 v1, v4;
	_ =	sdelay $0x4  }
0xc8: {  	[hbm4b:s4+s2] =	stream.indirect_vreg.scatter [tilespmem:s26], [sflag:$0x3], $0x80, v4, vm0, $0xb8;
	[tilespmem:$0x10500] =	vst v63  }
0xc9: {  	s1 =	simm.s32 $0x8D00;
	v3 =	vperm.xlane v3, v2  }
0xca: {  	[hbm4b:s5+s2] =	stream.indirect_vreg.scatter [tilespmem:s1], [sflag:$0x3], $0x80, v4, vm0, $0xb8;
	[tilespmem:$0x10500] =	vst v63  }
0xcb: {  	v3 =	vadd.s32 v1, v3;
	s1 =	simm.s32 $0x9500  }
0xcc: {  	[hbm4b:s6+s2] =	stream.indirect_vreg.scatter [tilespmem:s1], [sflag:$0x3], $0x80, v4, vm0, $0xb8;
	[tilespmem:$0x10500] =	vst v63  }
0xcd: {  	s3 =	simm.s32 $0x9D00  }
0xce: {  	[hbm4b:s7+s2] =	stream.indirect_vreg.scatter [tilespmem:s3], [sflag:$0x3], $0x80, v4, vm0, $0xb8;
	[tilespmem:$0x10500] =	vst v63  }
0xcf: {  	s30 =	simm.s32 $0xA500  }
0xd0: {  	[hbm4b:s4+s2] =	stream.indirect_vreg.scatter [tilespmem:s30], [sflag:$0x3], $0x80, v3, vm0, $0xb8;
	[tilespmem:$0x10500] =	vst v63  }
0xd1: {  	s29 =	simm.s32 $0xAD00  }
0xd2: {  	[hbm4b:s5+s2] =	stream.indirect_vreg.scatter [tilespmem:s29], [sflag:$0x3], $0x80, v3, vm0, $0xb8;
	[tilespmem:$0x10500] =	vst v63  }
0xd3: {  	s25 =	simm.s32 $0xB500  }
0xd4: {  	[hbm4b:s6+s2] =	stream.indirect_vreg.scatter [tilespmem:s25], [sflag:$0x3], $0x80, v3, vm0, $0xb8;
	[tilespmem:$0x10500] =	vst v63  }
0xd5: {  	s18 =	simm.s32 $0xBD00  }
0xd6: {  	[hbm4b:s7+s2] =	stream.indirect_vreg.scatter [tilespmem:s18], [sflag:$0x3], $0x80, v3, vm0, $0xb8;
	[tilespmem:$0x10500] =	vst v63  }
0xd7: {  	v3 =	vld [tilespmem:$0x290];
	_ =	sdelay $0x4  }
0xd8: {  	v55 =	vshll.u32 v3, $0x3  }
0xd9: {  	v3 =	vand.u32 $0x7, v3;
	v4 =	vand.u32 $0xFFFFFFC0, v55  }
0xda: {  	v3 =	vor.u32 v3, v4  }
0xdb: {  	v4 =	vperm.xlane v3, v0;
	_ =	sdelay $0x1  }
0xdc: {  	v4 =	vadd.s32 v1, v4;
	_ =	sdelay $0x3  }
0xdd: {  	s19 =	simm.s32 $0xC500  }
0xde: {  	[hbm4b:s4+s2] =	stream.indirect_vreg.scatter [tilespmem:s19], [sflag:$0x3], $0x80, v4, vm0, $0xb8;
	[tilespmem:$0x10500] =	vst v63  }
0xdf: {  	s23 =	simm.s32 $0xCD00;
	v3 =	vperm.xlane v3, v2  }
0xe0: {  	[hbm4b:s5+s2] =	stream.indirect_vreg.scatter [tilespmem:s23], [sflag:$0x3], $0x80, v4, vm0, $0xb8;
	[tilespmem:$0x10500] =	vst v63  }
0xe1: {  	s31 =	simm.s32 $0xD500;
	v3 =	vadd.s32 v1, v3  }
0xe2: {  	[hbm4b:s6+s2] =	stream.indirect_vreg.scatter [tilespmem:s31], [sflag:$0x3], $0x80, v4, vm0, $0xb8;
	[tilespmem:$0x10500] =	vst v63  }
0xe3: {  	s22 =	simm.s32 $0xDD00  }
0xe4: {  	[hbm4b:s7+s2] =	stream.indirect_vreg.scatter [tilespmem:s22], [sflag:$0x3], $0x80, v4, vm0, $0xb8;
	[tilespmem:$0x10500] =	vst v63  }
0xe5: {  	s23 =	simm.s32 $0xE500  }
0xe6: {  	[hbm4b:s4+s2] =	stream.indirect_vreg.scatter [tilespmem:s23], [sflag:$0x3], $0x80, v3, vm0, $0xb8;
	[tilespmem:$0x10500] =	vst v63  }
0xe7: {  	s31 =	simm.s32 $0xED00  }
0xe8: {  	[hbm4b:s5+s2] =	stream.indirect_vreg.scatter [tilespmem:s31], [sflag:$0x3], $0x80, v3, vm0, $0xb8;
	[tilespmem:$0x10500] =	vst v63  }
0xe9: {  	s22 =	simm.s32 $0xF500  }
0xea: {  	[hbm4b:s6+s2] =	stream.indirect_vreg.scatter [tilespmem:s22], [sflag:$0x3], $0x80, v3, vm0, $0xb8;
	[tilespmem:$0x10500] =	vst v63  }
0xeb: {  	s24 =	simm.s32 $0xFD00  }
0xec: {  	[hbm4b:s7+s2] =	stream.indirect_vreg.scatter [tilespmem:s24], [sflag:$0x3], $0x80, v3, vm0, $0xb8;
	[tilespmem:$0x10500] =	vst v63  }
0xed: {  	_ =	swait.ge [sflag:s20], $0x8000  }
0xee: {  	[sflag:s20] =	ssyncset.done $0x0  }
0xef: {  	s18 =	rddreg [dreg:$0x7];
	[sflag:s20] =	ssyncadd.s32 $0xFFFF8000  }
0xf0: {  	[tilespmem:s0], [sflag:$0x1] =	stream.linear.gather [hbm4b:s18+s2], $0x8000, $0x38;
	[tilespmem:$0x10500] =	vst v63  }
0xf1: {  	_ =	swait.ge [sflag:s11], $0x8000  }
0xf2: {  	[sflag:s11] =	ssyncset.done $0x0  }
0xf3: {  	[sflag:s11] =	ssyncadd.s32 $0xFFFF8000  }
0xf4: {  	v3 =	vld [tilespmem:$0x300];
	_ =	sdelay $0x4  }
0xf5: {  	v56 =	vshll.u32 v3, $0x3  }
0xf6: {  	v3 =	vand.u32 $0x7, v3;
	v4 =	vand.u32 $0xFFFFFFC0, v56  }
0xf7: {  	v3 =	vor.u32 v3, v4  }
0xf8: {  	v4 =	vperm.xlane v3, v0;
	_ =	sdelay $0x1  }
0xf9: {  	v4 =	vadd.s32 v1, v4;
	_ =	sdelay $0x4  }
0xfa: {  	[hbm4b:s4+s2] =	stream.indirect_vreg.scatter [tilespmem:s0], [sflag:$0x2], $0x80, v4, vm0, $0xb8;
	[tilespmem:$0x10500] =	vst v63  }
0xfb: {  	s22 =	simm.s32 $0xD00;
	v3 =	vperm.xlane v3, v2  }
0xfc: {  	[hbm4b:s5+s2] =	stream.indirect_vreg.scatter [tilespmem:s22], [sflag:$0x2], $0x80, v4, vm0, $0xb8;
	[tilespmem:$0x10500] =	vst v63  }
0xfd: {  	s24 =	simm.s32 $0x1500;
	v3 =	vadd.s32 v1, v3  }
0xfe: {  	[hbm4b:s6+s2] =	stream.indirect_vreg.scatter [tilespmem:s24], [sflag:$0x2], $0x80, v4, vm0, $0xb8;
	[tilespmem:$0x10500] =	vst v63  }
0xff: {  	_ = 	snop  }
0x100: {  	[hbm4b:s7+s2] =	stream.indirect_vreg.scatter [tilespmem:s28], [sflag:$0x2], $0x80, v4, vm0, $0xb8;
	[tilespmem:$0x10500] =	vst v63  }
0x101: {  	s22 =	simm.s32 $0x2500  }
0x102: {  	[hbm4b:s4+s2] =	stream.indirect_vreg.scatter [tilespmem:s22], [sflag:$0x2], $0x80, v3, vm0, $0xb8;
	[tilespmem:$0x10500] =	vst v63  }
0x103: {  	s28 =	simm.s32 $0x2D00  }
0x104: {  	[hbm4b:s5+s2] =	stream.indirect_vreg.scatter [tilespmem:s28], [sflag:$0x2], $0x80, v3, vm0, $0xb8;
	[tilespmem:$0x10500] =	vst v63  }
0x105: {  	s22 =	simm.s32 $0x3500  }
0x106: {  	[hbm4b:s6+s2] =	stream.indirect_vreg.scatter [tilespmem:s22], [sflag:$0x2], $0x80, v3, vm0, $0xb8;
	[tilespmem:$0x10500] =	vst v63  }
0x107: {  	s28 =	simm.s32 $0x3D00  }
0x108: {  	[hbm4b:s7+s2] =	stream.indirect_vreg.scatter [tilespmem:s28], [sflag:$0x2], $0x80, v3, vm0, $0xb8;
	[tilespmem:$0x10500] =	vst v63  }
0x109: {  	v3 =	vld [tilespmem:$0x310];
	_ =	sdelay $0x4  }
0x10a: {  	v57 =	vshll.u32 v3, $0x3  }
0x10b: {  	v3 =	vand.u32 $0x7, v3;
	v4 =	vand.u32 $0xFFFFFFC0, v57  }
0x10c: {  	v3 =	vor.u32 v3, v4  }
0x10d: {  	v4 =	vperm.xlane v3, v0;
	_ =	sdelay $0x1  }
0x10e: {  	v4 =	vadd.s32 v1, v4;
	_ =	sdelay $0x4  }
0x10f: {  	[hbm4b:s4+s2] =	stream.indirect_vreg.scatter [tilespmem:s14], [sflag:$0x2], $0x80, v4, vm0, $0xb8;
	[tilespmem:$0x10500] =	vst v63  }
0x110: {  	v3 =	vperm.xlane v3, v2  }
0x111: {  	[hbm4b:s5+s2] =	stream.indirect_vreg.scatter [tilespmem:s15], [sflag:$0x2], $0x80, v4, vm0, $0xb8;
	[tilespmem:$0x10500] =	vst v63  }
0x112: {  	v3 =	vadd.s32 v1, v3  }
0x113: {  	[hbm4b:s6+s2] =	stream.indirect_vreg.scatter [tilespmem:s9], [sflag:$0x2], $0x80, v4, vm0, $0xb8;
	[tilespmem:$0x10500] =	vst v63  }
0x114: {  	_ = 	snop  }
0x115: {  	[hbm4b:s7+s2] =	stream.indirect_vreg.scatter [tilespmem:s10], [sflag:$0x2], $0x80, v4, vm0, $0xb8;
	[tilespmem:$0x10500] =	vst v63  }
0x116: {  	_ = 	snop  }
0x117: {  	[hbm4b:s4+s2] =	stream.indirect_vreg.scatter [tilespmem:s12], [sflag:$0x2], $0x80, v3, vm0, $0xb8;
	[tilespmem:$0x10500] =	vst v63  }
0x118: {  	_ = 	snop  }
0x119: {  	[hbm4b:s5+s2] =	stream.indirect_vreg.scatter [tilespmem:s13], [sflag:$0x2], $0x80, v3, vm0, $0xb8;
	[tilespmem:$0x10500] =	vst v63  }
0x11a: {  	_ = 	snop  }
0x11b: {  	[hbm4b:s6+s2] =	stream.indirect_vreg.scatter [tilespmem:s16], [sflag:$0x2], $0x80, v3, vm0, $0xb8;
	[tilespmem:$0x10500] =	vst v63  }
0x11c: {  	_ = 	snop  }
0x11d: {  	[hbm4b:s7+s2] =	stream.indirect_vreg.scatter [tilespmem:s17], [sflag:$0x2], $0x80, v3, vm0, $0xb8;
	[tilespmem:$0x10500] =	vst v63  }
0x11e: {  	_ =	swait.ge [sflag:s21], $0x8000  }
0x11f: {  	[sflag:s21] =	ssyncset.done $0x0  }
0x120: {  	s18 =	rddreg [dreg:$0x8];
	[sflag:s21] =	ssyncadd.s32 $0xFFFF8000  }
0x121: {  	[tilespmem:s26], [sflag:$0x1] =	stream.linear.gather [hbm4b:s18+s2], $0x8000, $0x38;
	[tilespmem:$0x10500] =	vst v63  }
0x122: {  	_ =	swait.ge [sflag:s11], $0x8000  }
0x123: {  	[sflag:s11] =	ssyncset.done $0x0  }
0x124: {  	[sflag:s11] =	ssyncadd.s32 $0xFFFF8000  }
0x125: {  	v3 =	vld [tilespmem:$0x380];
	_ =	sdelay $0x4  }
0x126: {  	v58 =	vshll.u32 v3, $0x3  }
0x127: {  	v3 =	vand.u32 $0x7, v3;
	v4 =	vand.u32 $0xFFFFFFC0, v58  }
0x128: {  	v3 =	vor.u32 v3, v4  }
0x129: {  	v4 =	vperm.xlane v3, v0;
	_ =	sdelay $0x1  }
0x12a: {  	v4 =	vadd.s32 v1, v4;
	_ =	sdelay $0x4  }
0x12b: {  	[hbm4b:s4+s2] =	stream.indirect_vreg.scatter [tilespmem:s26], [sflag:$0x3], $0x80, v4, vm0, $0xb8;
	[tilespmem:$0x10500] =	vst v63  }
0x12c: {  	s22 =	simm.s32 $0x8D00;
	v3 =	vperm.xlane v3, v2  }
0x12d: {  	[hbm4b:s5+s2] =	stream.indirect_vreg.scatter [tilespmem:s22], [sflag:$0x3], $0x80, v4, vm0, $0xb8;
	[tilespmem:$0x10500] =	vst v63  }
0x12e: {  	v3 =	vadd.s32 v1, v3  }
0x12f: {  	[hbm4b:s6+s2] =	stream.indirect_vreg.scatter [tilespmem:s1], [sflag:$0x3], $0x80, v4, vm0, $0xb8;
	[tilespmem:$0x10500] =	vst v63  }
0x130: {  	_ = 	snop  }
0x131: {  	[hbm4b:s7+s2] =	stream.indirect_vreg.scatter [tilespmem:s3], [sflag:$0x3], $0x80, v4, vm0, $0xb8;
	[tilespmem:$0x10500] =	vst v63  }
0x132: {  	s30 =	simm.s32 $0xA500  }
0x133: {  	[hbm4b:s4+s2] =	stream.indirect_vreg.scatter [tilespmem:s30], [sflag:$0x3], $0x80, v3, vm0, $0xb8;
	[tilespmem:$0x10500] =	vst v63  }
0x134: {  	s29 =	simm.s32 $0xAD00  }
0x135: {  	[hbm4b:s5+s2] =	stream.indirect_vreg.scatter [tilespmem:s29], [sflag:$0x3], $0x80, v3, vm0, $0xb8;
	[tilespmem:$0x10500] =	vst v63  }
0x136: {  	s25 =	simm.s32 $0xB500  }
0x137: {  	[hbm4b:s6+s2] =	stream.indirect_vreg.scatter [tilespmem:s25], [sflag:$0x3], $0x80, v3, vm0, $0xb8;
	[tilespmem:$0x10500] =	vst v63  }
0x138: {  	s25 =	simm.s32 $0xBD00  }
0x139: {  	[hbm4b:s7+s2] =	stream.indirect_vreg.scatter [tilespmem:s25], [sflag:$0x3], $0x80, v3, vm0, $0xb8;
	[tilespmem:$0x10500] =	vst v63  }
0x13a: {  	v3 =	vld [tilespmem:$0x390];
	_ =	sdelay $0x4  }
0x13b: {  	v59 =	vshll.u32 v3, $0x3  }
0x13c: {  	v3 =	vand.u32 $0x7, v3;
	v4 =	vand.u32 $0xFFFFFFC0, v59  }
0x13d: {  	v3 =	vor.u32 v3, v4  }
0x13e: {  	v4 =	vperm.xlane v3, v0;
	_ =	sdelay $0x1  }
0x13f: {  	v4 =	vadd.s32 v1, v4;
	_ =	sdelay $0x3  }
0x140: {  	s30 =	simm.s32 $0xC500  }
0x141: {  	[hbm4b:s4+s2] =	stream.indirect_vreg.scatter [tilespmem:s30], [sflag:$0x3], $0x80, v4, vm0, $0xb8;
	[tilespmem:$0x10500] =	vst v63  }
0x142: {  	s25 =	simm.s32 $0xCD00;
	v3 =	vperm.xlane v3, v2  }
0x143: {  	[hbm4b:s5+s2] =	stream.indirect_vreg.scatter [tilespmem:s25], [sflag:$0x3], $0x80, v4, vm0, $0xb8;
	[tilespmem:$0x10500] =	vst v63  }
0x144: {  	s19 =	simm.s32 $0xD500;
	v3 =	vadd.s32 v1, v3  }
0x145: {  	[hbm4b:s6+s2] =	stream.indirect_vreg.scatter [tilespmem:s19], [sflag:$0x3], $0x80, v4, vm0, $0xb8;
	[tilespmem:$0x10500] =	vst v63  }
0x146: {  	s30 =	simm.s32 $0xDD00  }
0x147: {  	[hbm4b:s7+s2] =	stream.indirect_vreg.scatter [tilespmem:s30], [sflag:$0x3], $0x80, v4, vm0, $0xb8;
	[tilespmem:$0x10500] =	vst v63  }
0x148: {  	s23 =	simm.s32 $0xE500  }
0x149: {  	[hbm4b:s4+s2] =	stream.indirect_vreg.scatter [tilespmem:s23], [sflag:$0x3], $0x80, v3, vm0, $0xb8;
	[tilespmem:$0x10500] =	vst v63  }
0x14a: {  	s31 =	simm.s32 $0xED00  }
0x14b: {  	[hbm4b:s5+s2] =	stream.indirect_vreg.scatter [tilespmem:s31], [sflag:$0x3], $0x80, v3, vm0, $0xb8;
	[tilespmem:$0x10500] =	vst v63  }
0x14c: {  	s31 =	simm.s32 $0xF500  }
0x14d: {  	[hbm4b:s6+s2] =	stream.indirect_vreg.scatter [tilespmem:s31], [sflag:$0x3], $0x80, v3, vm0, $0xb8;
	[tilespmem:$0x10500] =	vst v63  }
0x14e: {  	s22 =	simm.s32 $0xFD00  }
0x14f: {  	[hbm4b:s7+s2] =	stream.indirect_vreg.scatter [tilespmem:s22], [sflag:$0x3], $0x80, v3, vm0, $0xb8;
	[tilespmem:$0x10500] =	vst v63  }
0x150: {  	_ =	swait.ge [sflag:s20], $0x8000  }
0x151: {  	[sflag:s20] =	ssyncset.done $0x0  }
0x152: {  	s22 =	rddreg [dreg:$0x9];
	[sflag:s20] =	ssyncadd.s32 $0xFFFF8000  }
0x153: {  	[tilespmem:s0], [sflag:$0x1] =	stream.linear.gather [hbm4b:s22+s2], $0x8000, $0x38;
	[tilespmem:$0x10500] =	vst v63  }
0x154: {  	_ =	swait.ge [sflag:s11], $0x8000  }
0x155: {  	[sflag:s11] =	ssyncset.done $0x0  }
0x156: {  	[sflag:s11] =	ssyncadd.s32 $0xFFFF8000  }
0x157: {  	v3 =	vld [tilespmem:$0x400];
	_ =	sdelay $0x4  }
0x158: {  	v60 =	vshll.u32 v3, $0x3  }
0x159: {  	v3 =	vand.u32 $0x7, v3;
	v4 =	vand.u32 $0xFFFFFFC0, v60  }
0x15a: {  	v3 =	vor.u32 v3, v4  }
0x15b: {  	v4 =	vperm.xlane v3, v0;
	_ =	sdelay $0x1  }
0x15c: {  	v4 =	vadd.s32 v1, v4;
	_ =	sdelay $0x4  }
0x15d: {  	[hbm4b:s4+s2] =	stream.indirect_vreg.scatter [tilespmem:s0], [sflag:$0x2], $0x80, v4, vm0, $0xb8;
	[tilespmem:$0x10500] =	vst v63  }
0x15e: {  	s22 =	simm.s32 $0xD00;
	v3 =	vperm.xlane v3, v2  }
0x15f: {  	[hbm4b:s5+s2] =	stream.indirect_vreg.scatter [tilespmem:s22], [sflag:$0x2], $0x80, v4, vm0, $0xb8;
	[tilespmem:$0x10500] =	vst v63  }
0x160: {  	v3 =	vadd.s32 v1, v3;
	s22 =	simm.s32 $0x1500  }
0x161: {  	[hbm4b:s6+s2] =	stream.indirect_vreg.scatter [tilespmem:s22], [sflag:$0x2], $0x80, v4, vm0, $0xb8;
	[tilespmem:$0x10500] =	vst v63  }
0x162: {  	s24 =	simm.s32 $0x1D00  }
0x163: {  	[hbm4b:s7+s2] =	stream.indirect_vreg.scatter [tilespmem:s24], [sflag:$0x2], $0x80, v4, vm0, $0xb8;
	[tilespmem:$0x10500] =	vst v63  }
0x164: {  	s22 =	simm.s32 $0x2500  }
0x165: {  	[hbm4b:s4+s2] =	stream.indirect_vreg.scatter [tilespmem:s22], [sflag:$0x2], $0x80, v3, vm0, $0xb8;
	[tilespmem:$0x10500] =	vst v63  }
0x166: {  	s24 =	simm.s32 $0x2D00  }
0x167: {  	[hbm4b:s5+s2] =	stream.indirect_vreg.scatter [tilespmem:s24], [sflag:$0x2], $0x80, v3, vm0, $0xb8;
	[tilespmem:$0x10500] =	vst v63  }
0x168: {  	s22 =	simm.s32 $0x3500  }
0x169: {  	[hbm4b:s6+s2] =	stream.indirect_vreg.scatter [tilespmem:s22], [sflag:$0x2], $0x80, v3, vm0, $0xb8;
	[tilespmem:$0x10500] =	vst v63  }
0x16a: {  	s24 =	simm.s32 $0x3D00  }
0x16b: {  	[hbm4b:s7+s2] =	stream.indirect_vreg.scatter [tilespmem:s24], [sflag:$0x2], $0x80, v3, vm0, $0xb8;
	[tilespmem:$0x10500] =	vst v63  }
0x16c: {  	v3 =	vld [tilespmem:$0x410];
	_ =	sdelay $0x4  }
0x16d: {  	v61 =	vshll.u32 v3, $0x3  }
0x16e: {  	v3 =	vand.u32 $0x7, v3;
	v4 =	vand.u32 $0xFFFFFFC0, v61  }
0x16f: {  	v3 =	vor.u32 v3, v4  }
0x170: {  	v4 =	vperm.xlane v3, v0;
	_ =	sdelay $0x1  }
0x171: {  	v4 =	vadd.s32 v1, v4;
	_ =	sdelay $0x3  }
0x172: {  	s14 =	simm.s32 $0x4500  }
0x173: {  	[hbm4b:s4+s2] =	stream.indirect_vreg.scatter [tilespmem:s14], [sflag:$0x2], $0x80, v4, vm0, $0xb8;
	[tilespmem:$0x10500] =	vst v63  }
0x174: {  	s15 =	simm.s32 $0x4D00;
	v3 =	vperm.xlane v3, v2  }
0x175: {  	[hbm4b:s5+s2] =	stream.indirect_vreg.scatter [tilespmem:s15], [sflag:$0x2], $0x80, v4, vm0, $0xb8;
	[tilespmem:$0x10500] =	vst v63  }
0x176: {  	s9 =	simm.s32 $0x5500;
	v3 =	vadd.s32 v1, v3  }
0x177: {  	[hbm4b:s6+s2] =	stream.indirect_vreg.scatter [tilespmem:s9], [sflag:$0x2], $0x80, v4, vm0, $0xb8;
	[tilespmem:$0x10500] =	vst v63  }
0x178: {  	s10 =	simm.s32 $0x5D00  }
0x179: {  	[hbm4b:s7+s2] =	stream.indirect_vreg.scatter [tilespmem:s10], [sflag:$0x2], $0x80, v4, vm0, $0xb8;
	[tilespmem:$0x10500] =	vst v63  }
0x17a: {  	s12 =	simm.s32 $0x6500  }
0x17b: {  	[hbm4b:s4+s2] =	stream.indirect_vreg.scatter [tilespmem:s12], [sflag:$0x2], $0x80, v3, vm0, $0xb8;
	[tilespmem:$0x10500] =	vst v63  }
0x17c: {  	s13 =	simm.s32 $0x6D00  }
0x17d: {  	[hbm4b:s5+s2] =	stream.indirect_vreg.scatter [tilespmem:s13], [sflag:$0x2], $0x80, v3, vm0, $0xb8;
	[tilespmem:$0x10500] =	vst v63  }
0x17e: {  	s16 =	simm.s32 $0x7500  }
0x17f: {  	[hbm4b:s6+s2] =	stream.indirect_vreg.scatter [tilespmem:s16], [sflag:$0x2], $0x80, v3, vm0, $0xb8;
	[tilespmem:$0x10500] =	vst v63  }
0x180: {  	s17 =	simm.s32 $0x7D00  }
0x181: {  	[hbm4b:s7+s2] =	stream.indirect_vreg.scatter [tilespmem:s17], [sflag:$0x2], $0x80, v3, vm0, $0xb8;
	[tilespmem:$0x10500] =	vst v63  }
0x182: {  	_ =	swait.ge [sflag:s21], $0x8000  }
0x183: {  	[sflag:s21] =	ssyncset.done $0x0  }
0x184: {  	s17 =	rddreg [dreg:$0xa];
	[sflag:s21] =	ssyncadd.s32 $0xFFFF8000  }
0x185: {  	[tilespmem:s26], [sflag:$0x1] =	stream.linear.gather [hbm4b:s17+s2], $0x8000, $0x38;
	[tilespmem:$0x10500] =	vst v63  }
0x186: {  	_ =	swait.ge [sflag:s11], $0x8000  }
0x187: {  	[sflag:s11] =	ssyncset.done $0x0  }
0x188: {  	[sflag:s11] =	ssyncadd.s32 $0xFFFF8000  }
0x189: {  	v3 =	vld [tilespmem:$0x480];
	_ =	sdelay $0x4  }
0x18a: {  	v62 =	vshll.u32 v3, $0x3  }
0x18b: {  	v3 =	vand.u32 $0x7, v3;
	v4 =	vand.u32 $0xFFFFFFC0, v62  }
0x18c: {  	v3 =	vor.u32 v3, v4  }
0x18d: {  	v4 =	vperm.xlane v3, v0;
	_ =	sdelay $0x1  }
0x18e: {  	v4 =	vadd.s32 v1, v4;
	_ =	sdelay $0x4  }
0x18f: {  	[hbm4b:s4+s2] =	stream.indirect_vreg.scatter [tilespmem:s26], [sflag:$0x3], $0x80, v4, vm0, $0xb8;
	[tilespmem:$0x10500] =	vst v63  }
0x190: {  	s22 =	simm.s32 $0x8D00;
	v3 =	vperm.xlane v3, v2  }
0x191: {  	[hbm4b:s5+s2] =	stream.indirect_vreg.scatter [tilespmem:s22], [sflag:$0x3], $0x80, v4, vm0, $0xb8;
	[tilespmem:$0x10500] =	vst v63  }
0x192: {  	s1 =	simm.s32 $0x9500;
	v3 =	vadd.s32 v1, v3  }
0x193: {  	[hbm4b:s6+s2] =	stream.indirect_vreg.scatter [tilespmem:s1], [sflag:$0x3], $0x80, v4, vm0, $0xb8;
	[tilespmem:$0x10500] =	vst v63  }
0x194: {  	s3 =	simm.s32 $0x9D00  }
0x195: {  	[hbm4b:s7+s2] =	stream.indirect_vreg.scatter [tilespmem:s3], [sflag:$0x3], $0x80, v4, vm0, $0xb8;
	[tilespmem:$0x10500] =	vst v63  }
0x196: {  	s18 =	simm.s32 $0xA500  }
0x197: {  	[hbm4b:s4+s2] =	stream.indirect_vreg.scatter [tilespmem:s18], [sflag:$0x3], $0x80, v3, vm0, $0xb8;
	[tilespmem:$0x10500] =	vst v63  }
0x198: {  	s28 =	simm.s32 $0xAD00  }
0x199: {  	[hbm4b:s5+s2] =	stream.indirect_vreg.scatter [tilespmem:s28], [sflag:$0x3], $0x80, v3, vm0, $0xb8;
	[tilespmem:$0x10500] =	vst v63  }
0x19a: {  	s29 =	simm.s32 $0xB500  }
0x19b: {  	[hbm4b:s6+s2] =	stream.indirect_vreg.scatter [tilespmem:s29], [sflag:$0x3], $0x80, v3, vm0, $0xb8;
	[tilespmem:$0x10500] =	vst v63  }
0x19c: {  	s24 =	simm.s32 $0xBD00  }
0x19d: {  	[hbm4b:s7+s2] =	stream.indirect_vreg.scatter [tilespmem:s24], [sflag:$0x3], $0x80, v3, vm0, $0xb8;
	[tilespmem:$0x10500] =	vst v63  }
0x19e: {  	v3 =	vld [tilespmem:$0x490];
	_ =	sdelay $0x4  }
0x19f: {  	v63 =	vshll.u32 v3, $0x3  }
0x1a0: {  	v3 =	vand.u32 $0x7, v3;
	v4 =	vand.u32 $0xFFFFFFC0, v63  }
0x1a1: {  	v3 =	vor.u32 v3, v4  }
0x1a2: {  	v4 =	vperm.xlane v3, v0;
	_ =	sdelay $0x1  }
0x1a3: {  	v4 =	vadd.s32 v1, v4;
	_ =	sdelay $0x3  }
0x1a4: {  	s28 =	simm.s32 $0xC500  }
0x1a5: {  	[hbm4b:s4+s2] =	stream.indirect_vreg.scatter [tilespmem:s28], [sflag:$0x3], $0x80, v4, vm0, $0xb8;
	[tilespmem:$0x10500] =	vst v63  }
0x1a6: {  	s29 =	simm.s32 $0xCD00;
	v3 =	vperm.xlane v3, v2  }
0x1a7: {  	[hbm4b:s5+s2] =	stream.indirect_vreg.scatter [tilespmem:s29], [sflag:$0x3], $0x80, v4, vm0, $0xb8;
	[tilespmem:$0x10500] =	vst v63  }
0x1a8: {  	s25 =	simm.s32 $0xD500;
	v3 =	vadd.s32 v1, v3  }
0x1a9: {  	[hbm4b:s6+s2] =	stream.indirect_vreg.scatter [tilespmem:s25], [sflag:$0x3], $0x80, v4, vm0, $0xb8;
	[tilespmem:$0x10500] =	vst v63  }
0x1aa: {  	s30 =	simm.s32 $0xDD00  }
0x1ab: {  	[hbm4b:s7+s2] =	stream.indirect_vreg.scatter [tilespmem:s30], [sflag:$0x3], $0x80, v4, vm0, $0xb8;
	[tilespmem:$0x10500] =	vst v63  }
0x1ac: {  	s19 =	simm.s32 $0xE500  }
0x1ad: {  	[hbm4b:s4+s2] =	stream.indirect_vreg.scatter [tilespmem:s19], [sflag:$0x3], $0x80, v3, vm0, $0xb8;
	[tilespmem:$0x10500] =	vst v63  }
0x1ae: {  	s23 =	simm.s32 $0xED00  }
0x1af: {  	[hbm4b:s5+s2] =	stream.indirect_vreg.scatter [tilespmem:s23], [sflag:$0x3], $0x80, v3, vm0, $0xb8;
	[tilespmem:$0x10500] =	vst v63  }
0x1b0: {  	s31 =	simm.s32 $0xF500  }
0x1b1: {  	[hbm4b:s6+s2] =	stream.indirect_vreg.scatter [tilespmem:s31], [sflag:$0x3], $0x80, v3, vm0, $0xb8;
	[tilespmem:$0x10500] =	vst v63  }
0x1b2: {  	s31 =	simm.s32 $0xFD00  }
0x1b3: {  	[hbm4b:s7+s2] =	stream.indirect_vreg.scatter [tilespmem:s31], [sflag:$0x3], $0x80, v3, vm0, $0xb8;
	[tilespmem:$0x10500] =	vst v63  }
0x1b4: {  	p0 =	sne.s32 s8, $0x1;
	_ =	swait.ge [sflag:s20], $0x8000  }
.Ltmp0:
0x1b5: {  	[sflag:s20] =	ssyncset.done $0x0;
	(pc) =	sbr.rel @p0 .LBB2_1-.Ltmp0, $4  }
0x1b6: {  	[sflag:s20] =	ssyncadd.s32 $0xFFFF8000  }
0x1b7: {  	_ =	swait.ge [sflag:s21], $0x8000  }
0x1b8: {  	[sflag:s21] =	ssyncset.done $0x0  }
0x1b9: {  	s8 =	sadd.s32 $0xFFFFFFFF, s8;
	[sflag:s21] =	ssyncadd.s32 $0xFFFF8000  }
0x1ba: {  	_ =	sfence.sel $0x180000  }
0x1bb: {  	[bflag:$0x0] =	sbarrier.arrive $0xFFFF  }
0x1bc: {  	_ =	strace $0x90000047  }
0x1bd: {  	s0 =	stileid.u32;
	[bflag:$0x2] =	sbarrier.arrive $0xFFFF  }
0x1be: {  	p0 =	sne.s32 s0, $0x0;
	s0 =	rddreg [dreg:$0x2]  }
0x1bf: {  	s0 =	sadd.s32 @!p0 $0x100000, s0  }
0x1c0: {  	[sflag:s0] =	ssyncadd.tile.s32 @!p0 $0x1;
	_ =	shalt  }
.Lfunc_end2:
_tile_overlayer_lowered:
.L_overlay_start_2:
0x1c1: {  	(tag) =	ssettag $0x2  }
0x1c2: {  	s0 =	rddreg [dreg:$0x0];
	s2 =	stileid.u32  }
0x1c3: {  	s1 =	rddreg [dreg:$0x1];
	p0 =	sne.s32 s2, $0x0  }
0x1c4: {  	s3 =	rddreg [dreg:$0x2];
	[bflag:$0x3] =	sbarrier.arrive $0xFFFF;
	s2 =	simm.s32 @!p0 $0x1C04  }
0x1c5: {  	[timem:s3], [sflag:s2] =	dma.local @!p0 [hbm:s0], s1  }
0x1c6: {  	s0 =	simm.s32 @!p0 $0x4  }
0x1c7: {  	_ =	swait.ge @!p0 [sflag:s0], s1  }
0x1c8: {  	s1 =	ssub.s32 @!p0 $0x0, s1;
	[sflag:s0] =	ssyncset.done @!p0 $0x0  }
0x1c9: {  	[sflag:s0] =	ssyncadd.s32 @!p0 s1  }
0x1ca: {  	[bflag:$0x3] =	sbarrier.arrive $0xFFFF  }
0x1cb: {  	_ =	shalt  }

// kernel: kernel.9.cloned.1.call-start
scs
__scs_entry_jumppad:
0x0: {  	(pc) =	sbr.rel $0x88, $3  }
0x1: {  	(tag) =	ssettag $0x0;
	lr =	simm.s32 $0x1  }
0x2: {  	[smem:$0x3F98] =	sst lr;
	_ =	strace $0xD0000000  }
0x3: {  	_ = 	snop  }
0x4: {  	_ = 	snop  }
0x5: {  	_ = 	snop  }
0x6: {  	_ = 	snop  }
0x7: {  	_ = 	snop  }
__scs_overlays_trampoline_lowered:
0x8: {  	[smem:$0x3FA7] =	sst s0  }
0x9: {  	[smem:$0x3FA8] =	sst s1  }
0xa: {  	[smem:$0x3FA9] =	sst s2  }
0xb: {  	[smem:$0x3FAA] =	sst s3  }
0xc: {  	[smem:$0x3FAB] =	sst s4  }
0xd: {  	[smem:$0x3FAC] =	sst s5  }
0xe: {  	[smem:$0x3FAD] =	sst s6  }
0xf: {  	[smem:$0x3FAE] =	sst s7  }
0x10: {  	[smem:$0x3FAF] =	sst s8  }
0x11: {  	[smem:$0x3FB0] =	sst s9;
	s0 =	simm.s32 @!p0 $0x0  }
0x12: {  	s1 =	sld [smem:$0x3F96];
	s0 =	simm.s32 @p0 $0x1  }
0x13: {  	[smem:$0x3FB1] =	sst s0;
	s0 =	simm.s32 @!p1 $0x0  }
0x14: {  	s2 =	sld [smem:$0x3F95];
	s0 =	simm.s32 @p1 $0x1  }
0x15: {  	[smem:$0x3FB2] =	sst s0;
	s0 =	simm.s32 @!p2 $0x0  }
0x16: {  	s3 =	sld [smem:$0x3FDB];
	s0 =	simm.s32 @p2 $0x1  }
0x17: {  	s4 =	simm.s32 $0x1BF5;
	[smem:$0x3FB4] =	sst s0  }
0x18: {  	s0 =	sld [smem:$0x3F97];
	_ =	swait.ge [sflag:s4], $0x0  }
0x19: {  	s7 =	sld [smem:$0x3F98]  }
0x1a: {  	s8 =	sadd.s32 $0xFFFFE003, lr  }
0x1b: {  	s9 =	sadd.s32 $0xFFFFFEF7, lr;
	s5 =	simm.s32 $0xFFFFFFFF;
	p2 =	slt.u32 s8, $0xFFFFF086  }
0x1c: {  	p1 =	slt.u32 s9, $0xF7A;
	s5 =	simm.s32 @!p2 $0x0  }
0x1d: {  	s5 =	simm.s32 @p1 $0x1;
	p0 =	seq.s32 s7, s2  }
0x1e: {  	s7 =	smul.u32 @!p0 $0xF7A, s2;
	p2 =	seq.s32 @!p0 s5, $0x0  }
0x1f: {  	s9 =	smul.u32 $0xF7A, s1;
	s8 =	simm.s32 @!p0 $0x1BF5;
	p2 =	por !p2, p0  }
0x20: {  	[sflag:s8] =	ssyncset.s32 @!p0 $0xFFFFF086;
	s6 =	sadd.s32 @!p0 s3, s7;
	s7 =	simm.s32 @!p0 $0x108  }
0x21: {  	s3 =	sadd.s32 s3, s9;
	s6 =	sadd.s32 @!p0 $0x88, s6;
	s7 =	simm.s32 @p2 $0x1082  }
0x22: {  	[simem:s7], [sflag:s8] =	dma.local @!p0 [hbm:s6], $0xF7A  }
0x23: {  	s9 =	sor.u32 $0xD0000000, s2;
	s6 =	simm.s32 $0x108;
	_ =	swait.ge @!p0 [sflag:s8], $0x0  }
0x24: {  	s3 =	sadd.s32 $0x88, s3;
	s6 =	simm.s32 @!p1 $0x1082;
	[sflag:s4] =	ssyncset.s32 $0xFFFFF086  }
0x25: {  	[simem:s6], [sflag:s4] =	dma.local [hbm:s3], $0xF7A  }
0x26: {  	[smem:$0x3F98] =	sst s1;
	(tag) =	ssettag s2;
	_ =	strace s9  }
0x27: {  	s1 =	sld [smem:$0x3FA8]  }
0x28: {  	s2 =	sld [smem:$0x3FA9]  }
0x29: {  	s4 =	sld [smem:$0x3FAB]  }
0x2a: {  	p0 =	seq.s32 s5, $0x0;
	s5 =	sld [smem:$0x3FAC]  }
0x2b: {  	s6 =	sld [smem:$0x3FAD]  }
0x2c: {  	s7 =	sld [smem:$0x3FAE]  }
0x2d: {  	s3 =	simm.s32 $0x108;
	s8 =	sld [smem:$0x3FAF]  }
0x2e: {  	s3 =	simm.s32 @!p0 $0x1082;
	s9 =	sld [smem:$0x3FB0]  }
0x2f: {  	lr =	sadd.s32 s0, s3;
	s0 =	sld [smem:$0x3FA7]  }
0x30: {  	s3 =	sld [smem:$0x3FAA]  }
0x31: {  	[smem:$0x3FB3] =	sst s10  }
0x32: {  	s10 =	sld [smem:$0x3FB1];
	_ =	sdelay $0x3  }
0x33: {  	p0 =	seq.s32 s10, $0x1;
	s10 =	sld [smem:$0x3FB3];
	_ =	sdelay $0x3  }
0x34: {  	[smem:$0x3FB3] =	sst s10  }
0x35: {  	s10 =	sld [smem:$0x3FB2];
	_ =	sdelay $0x3  }
0x36: {  	p1 =	seq.s32 s10, $0x1;
	s10 =	sld [smem:$0x3FB3];
	_ =	sdelay $0x3  }
0x37: {  	[smem:$0x3FB3] =	sst s10  }
0x38: {  	s10 =	sld [smem:$0x3FB4]  }
0x39: {  	_ = 	snop;
	(pc) =	sbr.ind lr, $3  }
0x3a: {  	_ = 	snop  }
0x3b: {  	_ = 	snop  }
0x3c: {  	p2 =	seq.s32 s10, $0x1;
	s10 =	sld [smem:$0x3FB3]  }
0x3d: {  	_ =	shalt  }
0x3e: {  	_ =	shalt  }
0x3f: {  	_ =	shalt  }
0x40: {  	_ =	shalt  }
0x41: {  	_ =	shalt  }
0x42: {  	_ =	shalt  }
0x43: {  	_ =	shalt  }
0x44: {  	_ =	shalt  }
0x45: {  	_ =	shalt  }
0x46: {  	_ =	shalt  }
0x47: {  	_ =	shalt  }
0x48: {  	_ =	shalt  }
0x49: {  	_ =	shalt  }
0x4a: {  	_ =	shalt  }
0x4b: {  	_ =	shalt  }
0x4c: {  	_ =	shalt  }
0x4d: {  	_ =	shalt  }
0x4e: {  	_ =	shalt  }
0x4f: {  	_ =	shalt  }
0x50: {  	_ =	shalt  }
0x51: {  	_ =	shalt  }
0x52: {  	_ =	shalt  }
0x53: {  	_ =	shalt  }
0x54: {  	_ =	shalt  }
0x55: {  	_ =	shalt  }
0x56: {  	_ =	shalt  }
0x57: {  	_ =	shalt  }
0x58: {  	_ =	shalt  }
0x59: {  	_ =	shalt  }
0x5a: {  	_ =	shalt  }
0x5b: {  	_ =	shalt  }
0x5c: {  	_ =	shalt  }
0x5d: {  	_ =	shalt  }
0x5e: {  	_ =	shalt  }
0x5f: {  	_ =	shalt  }
0x60: {  	_ =	shalt  }
0x61: {  	_ =	shalt  }
0x62: {  	_ =	shalt  }
0x63: {  	_ =	shalt  }
0x64: {  	_ =	shalt  }
0x65: {  	_ =	shalt  }
0x66: {  	_ =	shalt  }
0x67: {  	_ =	shalt  }
0x68: {  	_ =	shalt  }
0x69: {  	_ =	shalt  }
0x6a: {  	_ =	shalt  }
0x6b: {  	_ =	shalt  }
0x6c: {  	_ =	shalt  }
0x6d: {  	_ =	shalt  }
0x6e: {  	_ =	shalt  }
0x6f: {  	_ =	shalt  }
0x70: {  	_ =	shalt  }
0x71: {  	_ =	shalt  }
0x72: {  	_ =	shalt  }
0x73: {  	_ =	shalt  }
0x74: {  	_ =	shalt  }
0x75: {  	_ =	shalt  }
0x76: {  	_ =	shalt  }
0x77: {  	_ =	shalt  }
0x78: {  	_ =	shalt  }
0x79: {  	_ =	shalt  }
0x7a: {  	_ =	shalt  }
0x7b: {  	_ =	shalt  }
0x7c: {  	_ =	shalt  }
0x7d: {  	_ =	shalt  }
0x7e: {  	_ =	shalt  }
0x7f: {  	_ =	shalt  }
0x80: {  	_ =	shalt  }
0x81: {  	_ =	shalt  }
0x82: {  	_ =	shalt  }
0x83: {  	_ =	shalt  }
0x84: {  	_ =	shalt  }
0x85: {  	_ =	shalt  }
0x86: {  	_ =	shalt  }
0x87: {  	_ =	shalt  }
.Lfunc_end0:
.L_simem_size_0:
called_computation.1_lowered:
.L_overlay_start_0:
0x88: {  	s2 =	sld [smem:$0x3FD9]  }
0x89: {  	s3 =	sld [smem:$0x3FFE];
	_ =	sdelay $0x1  }
0x8a: {  	s1 =	srdreg.scid  }
0x8b: {  	s0 =	sand.u32 $0x1, s1  }
0x8c: {  	s17 =	sshll.u32 s0, $0xA;
	s2 =	sadd.s32 s3, s2  }
0x8d: {  	s2 =	sadd.s32 s2, s17  }
0x8e: {  	[smem:$0x3FBF] =	sst s2  }
0x8f: {  	_ = 	snop  }
0x90: {  	s2 =	sld [smem:$0x3FD0];
	(tm) =	ssettm $0x1  }
0x91: {  	s18 =	sld [smem:$0x3FFB];
	_ =	sdelay $0x3  }
0x92: {  	_ =	strace s18  }
0x93: {  	s3 =	sld [smem:$0x3FFC];
	_ =	sdelay $0x3  }
0x94: {  	_ =	strace s3  }
0x95: {  	s3 =	sld [smem:$0x3FFD];
	_ =	sdelay $0x3  }
0x96: {  	_ =	strace s3  }
0x97: {  	_ =	strace $0x8FFFFFFF  }
0x98: {  	s19 =	sld [smem:$0x3FDB];
	_ =	sdelay $0x1  }
0x99: {  	s4 =	simm.s32 $_scs_section_size  }
0x9a: {  	s5 =	simm.s32 $_size__tile_overlayer_lowered;
	s6 =	simm.s32 $_tile_overlayer_lowered  }
0x9b: {  	s22 =	simm.s32 $0x1BFF;
	s21 =	sshll.u32 s6, $0x1;
	s3 =	sadd.s32 s4, s19  }
0x9c: {  	s7 =	simm.s32 $0x0;
	s20 =	sshll.u32 s5, $0x1;
	s5 =	sadd.s32 s21, s3  }
0x9d: {  	[timem:s7], [sflag:s22] =	dma.local [hbm:s5], s20  }
0x9e: {  	_ =	swait.ge [sflag:s22], s20  }
0x9f: {  	s4 =	ssub.s32 $0x0, s20;
	[sflag:s22] =	ssyncset.done $0x0  }
0xa0: {  	[sflag:s22] =	ssyncadd.s32 s4;
	_ =	sdelay $0x1  }
0xa1: {  	s23 =	simm.s32 $0x1B8B  }
0xa2: {  	_ =	swait.ge [sflag:s23], $0x1  }
0xa3: {  	[sflag:s23] =	ssyncset.done $0x0  }
0xa4: {  	s25 =	simm.s32 $0x1B8E;
	s24 =	sld [smem:$0x3FFE];
	[sflag:s23] =	ssyncadd.s32 $0xFFFFFFFF  }
0xa5: {  	s26 =	simm.s32 $execute0_lowered;
	[smem:$0x3FD2] =	sst s25  }
0xa6: {  	s5 =	sshll.u32 s26, $0x1;
	_ =	strace $0x80000049;
	[dreg:$0x1] =	wrdreg $0xFFFFFFFF  }
0xa7: {  	s28 =	simm.s32 $_size_execute0_lowered;
	s3 =	sadd.s32 s3, s5;
	[dreg:$0x0] =	wrdreg $0x0  }
0xa8: {  	s5 =	sshll.u32 s28, $0x1;
	[dreg:$0x2] =	wrdreg s3  }
0xa9: {  	[dreg:$0x3] =	wrdreg s5  }
0xaa: {  	[dreg:$0x4] =	wrdreg $0xC0  }
0xab: {  	_ =	task [dreg:s7], $0x5FFFF  }
0xac: {  	[dreg:$0x1] =	wrdreg $0xFFFFFFFF  }
0xad: {  	[dreg:$0x0] =	wrdreg $0x60  }
0xae: {  	[dreg:$0x2] =	wrdreg s24  }
0xaf: {  	[dreg:$0x3] =	wrdreg s2  }
0xb0: {  	[dreg:$0x4] =	wrdreg $0x9  }
0xb1: {  	_ =	task.clear_ibuf [dreg:s7], $0x5FFFF;
	_ =	strace $0x90000049  }
0xb2: {  	s29 =	simm.s32 $0x9;
	_ =	strace $0x8000004B  }
0xb3: {  	_ =	swait.ge [sflag:s29], $0x1  }
0xb4: {  	[sflag:s29] =	ssyncadd.s32 $0xFFFFFFFF  }
0xb5: {  	_ =	strace $0x9000004B  }
0xb6: {  	_ =	sfence  }
0xb7: {  	s30 =	sld [smem:$0x0];
	_ =	sdelay $0x2  }
0xb8: {  	s31 =	sshll.u32 s1, $0xD;
	s1 =	sshrl.u32 s1, $0x2  }
0xb9: {  	s3 =	sand.u32 $0x4000, s31;
	s1 =	sadd.s32 s1, s30  }
0xba: {  	s0 =	sor.u32 s3, s0;
	s1 =	sshll.u32 s1, $0x11  }
0xbb: {  	s0 =	sor.u32 s1, s0  }
0xbc: {  	s0 =	sadd.s32 $0x8F2B, s0  }
0xbd: {  	[sflag:s0] =	ssyncadd.remote.s32 $0x1  }
0xbe: {  	_ =	sfence.sel $0xFFFF  }
0xbf: {  	[dreg:$0x0] =	wrdreg $0xFFFFFFFF;
	(pc) =	sbr.abs _section_cstart, $3  }
0xc0: {  	[dreg:$0x1] =	wrdreg $0xFFFFFFFF  }
0xc1: {  	_ =	task.clear_ibuf [dreg:s7], $0x2FFFF;
	_ =	strace $0x9FFFFFFF  }
0xc2: {  	(tm) =	ssettm $0x7FFFFFFF  }
0xc3: {  	_ =	shalt  }
tec
execute0_lowered:
.L_overlay_start_1:
0x0: {  	(tag) =	ssettag $0x1  }
0x1: {  	s0 =	srdreg.scid;
	s1 =	rddreg [dreg:$0x0]  }
0x2: {  	s2 =	stileid.u32;
	s4 =	rddreg [dreg:$0x1];
	s0 =	sand.u32 $0x1, s0  }
0x3: {  	s28 =	simm.s32 $0x8500;
	s2 =	sshll.u32 s2, $0x9;
	s3 =	sshll.u32 s0, $0x8  }
0x4: {  	s19 =	simm.s32 $0x2;
	s20 =	simm.s32 $0x3;
	s3 =	sor.u32 s3, s2  }
0x5: {  	s2 =	simm.s32 $0x0;
	s5 =	sshrl.u32 s3, $0x3;
	s3 =	sshll.u32 s3, $0x7  }
0x6: {  	[smem:$0x7FF] =	sst s2;
	s5 =	sadd.s32 s5, s1;
	s7 =	sadd.s32 s4, s3  }
0x7: {  	_ =	strace $0x8000004A;
	s5 =	sadd.s32 $0x1800, s5;
	[dreg:$0xb] =	wrdreg s7  }
0x8: {  	s6 =	sadd.s32 $0x241E00, s1;
	s3 =	sadd.s32 $0x1000, s7;
	[dreg:$0x3] =	wrdreg s5  }
0x9: {  	s0 =	ssub.s32 $0x2, s0;
	s23 =	sadd.s32 $0x2000, s7;
	[dreg:$0x4] =	wrdreg s3  }
0xa: {  	s25 =	sshrl.u32 s0, $0x1;
	s24 =	sadd.s32 $0x3000, s7;
	[dreg:$0x5] =	wrdreg s23  }
0xb: {  	s0 =	ssub.s32 s0, s25;
	s26 =	sadd.s32 $0x4000, s7;
	[dreg:$0x6] =	wrdreg s24  }
0xc: {  	s4 =	sadd.s32 $0x241C00, s1;
	s29 =	sadd.s32 $0x5000, s7;
	[dreg:$0x7] =	wrdreg s26  }
0xd: {  	v2 =	vlaneseq.u32;
	s8 =	smax.u32 s0, $0x1;
	s30 =	sadd.s32 $0x6000, s7;
	[dreg:$0x8] =	wrdreg s29  }
0xe: {  	vm0 =	vmmov $0xffff;
	v1 =	vshrl.u32 v2, $0x3;
	s31 =	sadd.s32 $0x7000, s7;
	s7 =	sadd.s32 $0x241F00, s1;
	[dreg:$0x9] =	wrdreg s30  }
0xf: {  	v0 =	vand.u32 $0x7, v2;
	v2 =	vor.u32 $0x8, v2;
	v1 =	vmul.u32 $0x8, v1;
	s5 =	sadd.s32 $0x241D00, s1;
	[dreg:$0xa] =	wrdreg s31;
	s26 =	simm.s32 $0x1  }
.LBB2_1:
0x10: {  	s21 =	rddreg [dreg:$0x3];
	s16 =	simm.s32 $0x4  }
0x11: {  	[tilespmem:s2], [sflag:$0x4] =	stream.linear.gather [hbm4b:s21+s2], $0x100, $0x38;
	[tilespmem:$0x10500] =	vst v63  }
0x12: {  	_ =	swait.ge [sflag:s16], $0x100  }
0x13: {  	[sflag:s16] =	ssyncset.done $0x0  }
0x14: {  	[sflag:s16] =	ssyncadd.s32 $0xFFFFFF00  }
0x15: {  	v3 =	vld [tilespmem:$0x0]  }
0x16: {  	v4 =	vld [tilespmem:$0x10]  }
0x17: {  	v5 =	vld [tilespmem:$0x20]  }
0x18: {  	v6 =	vld [tilespmem:$0x30]  }
0x19: {  	v7 =	vld [tilespmem:$0x40]  }
0x1a: {  	v8 =	vld [tilespmem:$0x50]  }
0x1b: {  	[tilespmem:$0x100] =	vst v3;
	v3 =	vld [tilespmem:$0x60]  }
0x1c: {  	[tilespmem:$0x110] =	vst v4;
	v40 =	vld [tilespmem:$0x100]  }
0x1d: {  	v41 =	vld [tilespmem:$0x70];
	[tilespmem:$0x180] =	vst v5  }
0x1e: {  	v42 =	vld [tilespmem:$0x80];
	[tilespmem:$0x190] =	vst v6  }
0x1f: {  	v43 =	vld [tilespmem:$0x90];
	[tilespmem:$0x200] =	vst v7  }
0x20: {  	v44 =	vld [tilespmem:$0xA0];
	[tilespmem:$0x210] =	vst v8  }
0x21: {  	[tilespmem:$0x280] =	vst v3;
	v3 =	vld [tilespmem:$0xB0];
	v9 =	vshll.u32 v40, $0x3  }
0x22: {  	v45 =	vld [tilespmem:$0xC0];
	[tilespmem:$0x290] =	vst v41;
	v4 =	vand.u32 $0x7, v40;
	v9 =	vand.u32 $0xFFFFFFC0, v9  }
0x23: {  	v46 =	vld [tilespmem:$0xD0];
	[tilespmem:$0x300] =	vst v42;
	v4 =	vor.u32 v4, v9  }
0x24: {  	v47 =	vld [tilespmem:$0xE0];
	[tilespmem:$0x310] =	vst v43;
	v9 =	vperm.xlane v4, v0  }
0x25: {  	v48 =	vld [tilespmem:$0xF0];
	[tilespmem:$0x380] =	vst v44  }
0x26: {  	[tilespmem:$0x390] =	vst v3;
	v3 =	vadd.s32 v1, v9  }
0x27: {  	[tilespmem:$0x400] =	vst v45  }
0x28: {  	[tilespmem:$0x410] =	vst v46  }
0x29: {  	[tilespmem:$0x480] =	vst v47  }
0x2a: {  	s0 =	simm.s32 $0x500;
	[tilespmem:$0x490] =	vst v48  }
0x2b: {  	[tilespmem:s0], [sflag:$0x1] =	stream.indirect_vreg.gather [hbm4b:s4+s2], $0x80, v3, vm0, $0xb8;
	[tilespmem:$0x10500] =	vst v63  }
0x2c: {  	s1 =	simm.s32 $0xD00;
	v4 =	vperm.xlane v4, v2  }
0x2d: {  	[tilespmem:s1], [sflag:$0x1] =	stream.indirect_vreg.gather [hbm4b:s5+s2], $0x80, v3, vm0, $0xb8;
	[tilespmem:$0x10500] =	vst v63  }
0x2e: {  	s17 =	simm.s32 $0x1500;
	v4 =	vadd.s32 v1, v4  }
0x2f: {  	[tilespmem:s17], [sflag:$0x1] =	stream.indirect_vreg.gather [hbm4b:s6+s2], $0x80, v3, vm0, $0xb8;
	[tilespmem:$0x10500] =	vst v63  }
0x30: {  	s18 =	simm.s32 $0x1D00  }
0x31: {  	[tilespmem:s18], [sflag:$0x1] =	stream.indirect_vreg.gather [hbm4b:s7+s2], $0x80, v3, vm0, $0xb8;
	[tilespmem:$0x10500] =	vst v63  }
0x32: {  	s21 =	simm.s32 $0x2500  }
0x33: {  	[tilespmem:s21], [sflag:$0x1] =	stream.indirect_vreg.gather [hbm4b:s4+s2], $0x80, v4, vm0, $0xb8;
	[tilespmem:$0x10500] =	vst v63  }
0x34: {  	s22 =	simm.s32 $0x2D00  }
0x35: {  	[tilespmem:s22], [sflag:$0x1] =	stream.indirect_vreg.gather [hbm4b:s5+s2], $0x80, v4, vm0, $0xb8;
	[tilespmem:$0x10500] =	vst v63  }
0x36: {  	s23 =	simm.s32 $0x3500  }
0x37: {  	[tilespmem:s23], [sflag:$0x1] =	stream.indirect_vreg.gather [hbm4b:s6+s2], $0x80, v4, vm0, $0xb8;
	[tilespmem:$0x10500] =	vst v63  }
0x38: {  	s24 =	simm.s32 $0x3D00  }
0x39: {  	[tilespmem:s24], [sflag:$0x1] =	stream.indirect_vreg.gather [hbm4b:s7+s2], $0x80, v4, vm0, $0xb8;
	[tilespmem:$0x10500] =	vst v63  }
0x3a: {  	v3 =	vld [tilespmem:$0x110];
	_ =	sdelay $0x4  }
0x3b: {  	v49 =	vshll.u32 v3, $0x3  }
0x3c: {  	v3 =	vand.u32 $0x7, v3;
	v4 =	vand.u32 $0xFFFFFFC0, v49  }
0x3d: {  	v3 =	vor.u32 v3, v4  }
0x3e: {  	v4 =	vperm.xlane v3, v0;
	_ =	sdelay $0x1  }
0x3f: {  	v4 =	vadd.s32 v1, v4;
	_ =	sdelay $0x3  }
0x40: {  	s25 =	simm.s32 $0x4500  }
0x41: {  	[tilespmem:s25], [sflag:$0x1] =	stream.indirect_vreg.gather [hbm4b:s4+s2], $0x80, v4, vm0, $0xb8;
	[tilespmem:$0x10500] =	vst v63  }
0x42: {  	s29 =	simm.s32 $0x4D00;
	v3 =	vperm.xlane v3, v2  }
0x43: {  	[tilespmem:s29], [sflag:$0x1] =	stream.indirect_vreg.gather [hbm4b:s5+s2], $0x80, v4, vm0, $0xb8;
	[tilespmem:$0x10500] =	vst v63  }
0x44: {  	s30 =	simm.s32 $0x5500;
	v3 =	vadd.s32 v1, v3  }
0x45: {  	[tilespmem:s30], [sflag:$0x1] =	stream.indirect_vreg.gather [hbm4b:s6+s2], $0x80, v4, vm0, $0xb8;
	[tilespmem:$0x10500] =	vst v63  }
0x46: {  	s31 =	simm.s32 $0x5D00  }
0x47: {  	[tilespmem:s31], [sflag:$0x1] =	stream.indirect_vreg.gather [hbm4b:s7+s2], $0x80, v4, vm0, $0xb8;
	[tilespmem:$0x10500] =	vst v63  }
0x48: {  	s10 =	simm.s32 $0x6500  }
0x49: {  	[tilespmem:s10], [sflag:$0x1] =	stream.indirect_vreg.gather [hbm4b:s4+s2], $0x80, v3, vm0, $0xb8;
	[tilespmem:$0x10500] =	vst v63  }
0x4a: {  	s14 =	simm.s32 $0x6D00  }
0x4b: {  	[tilespmem:s14], [sflag:$0x1] =	stream.indirect_vreg.gather [hbm4b:s5+s2], $0x80, v3, vm0, $0xb8;
	[tilespmem:$0x10500] =	vst v63  }
0x4c: {  	s16 =	simm.s32 $0x7500  }
0x4d: {  	[tilespmem:s16], [sflag:$0x1] =	stream.indirect_vreg.gather [hbm4b:s6+s2], $0x80, v3, vm0, $0xb8;
	[tilespmem:$0x10500] =	vst v63  }
0x4e: {  	s17 =	simm.s32 $0x7D00  }
0x4f: {  	[tilespmem:s17], [sflag:$0x1] =	stream.indirect_vreg.gather [hbm4b:s7+s2], $0x80, v3, vm0, $0xb8;
	[tilespmem:$0x10500] =	vst v63  }
0x50: {  	_ =	swait.ge [sflag:s26], $0x8000  }
0x51: {  	[sflag:s26] =	ssyncset.done $0x0  }
0x52: {  	s18 =	rddreg [dreg:$0xb];
	[sflag:s26] =	ssyncadd.s32 $0xFFFF8000  }
0x53: {  	[hbm4b:s18+s2] =	stream.linear.scatter [tilespmem:s0], [sflag:$0x2], $0x8000, $0x38;
	[tilespmem:$0x10500] =	vst v63  }
0x54: {  	v3 =	vld [tilespmem:$0x180];
	_ =	sdelay $0x4  }
0x55: {  	v50 =	vshll.u32 v3, $0x3  }
0x56: {  	v3 =	vand.u32 $0x7, v3;
	v4 =	vand.u32 $0xFFFFFFC0, v50  }
0x57: {  	v3 =	vor.u32 v3, v4  }
0x58: {  	v4 =	vperm.xlane v3, v0;
	_ =	sdelay $0x1  }
0x59: {  	v4 =	vadd.s32 v1, v4;
	_ =	sdelay $0x4  }
0x5a: {  	[tilespmem:s28], [sflag:$0x1] =	stream.indirect_vreg.gather [hbm4b:s4+s2], $0x80, v4, vm0, $0xb8;
	[tilespmem:$0x10500] =	vst v63  }
0x5b: {  	s10 =	simm.s32 $0x8D00;
	v3 =	vperm.xlane v3, v2  }
0x5c: {  	[tilespmem:s10], [sflag:$0x1] =	stream.indirect_vreg.gather [hbm4b:s5+s2], $0x80, v4, vm0, $0xb8;
	[tilespmem:$0x10500] =	vst v63  }
0x5d: {  	s22 =	simm.s32 $0x9500;
	v3 =	vadd.s32 v1, v3  }
0x5e: {  	[tilespmem:s22], [sflag:$0x1] =	stream.indirect_vreg.gather [hbm4b:s6+s2], $0x80, v4, vm0, $0xb8;
	[tilespmem:$0x10500] =	vst v63  }
0x5f: {  	s23 =	simm.s32 $0x9D00  }
0x60: {  	[tilespmem:s23], [sflag:$0x1] =	stream.indirect_vreg.gather [hbm4b:s7+s2], $0x80, v4, vm0, $0xb8;
	[tilespmem:$0x10500] =	vst v63  }
0x61: {  	s24 =	simm.s32 $0xA500  }
0x62: {  	[tilespmem:s24], [sflag:$0x1] =	stream.indirect_vreg.gather [hbm4b:s4+s2], $0x80, v3, vm0, $0xb8;
	[tilespmem:$0x10500] =	vst v63  }
0x63: {  	s25 =	simm.s32 $0xAD00  }
0x64: {  	[tilespmem:s25], [sflag:$0x1] =	stream.indirect_vreg.gather [hbm4b:s5+s2], $0x80, v3, vm0, $0xb8;
	[tilespmem:$0x10500] =	vst v63  }
0x65: {  	s29 =	simm.s32 $0xB500  }
0x66: {  	[tilespmem:s29], [sflag:$0x1] =	stream.indirect_vreg.gather [hbm4b:s6+s2], $0x80, v3, vm0, $0xb8;
	[tilespmem:$0x10500] =	vst v63  }
0x67: {  	s31 =	simm.s32 $0xBD00  }
0x68: {  	[tilespmem:s31], [sflag:$0x1] =	stream.indirect_vreg.gather [hbm4b:s7+s2], $0x80, v3, vm0, $0xb8;
	[tilespmem:$0x10500] =	vst v63  }
0x69: {  	v3 =	vld [tilespmem:$0x190];
	_ =	sdelay $0x4  }
0x6a: {  	v51 =	vshll.u32 v3, $0x3  }
0x6b: {  	v3 =	vand.u32 $0x7, v3;
	v4 =	vand.u32 $0xFFFFFFC0, v51  }
0x6c: {  	v3 =	vor.u32 v3, v4  }
0x6d: {  	v4 =	vperm.xlane v3, v0;
	_ =	sdelay $0x1  }
0x6e: {  	v4 =	vadd.s32 v1, v4;
	_ =	sdelay $0x3  }
0x6f: {  	s10 =	simm.s32 $0xC500  }
0x70: {  	[tilespmem:s10], [sflag:$0x1] =	stream.indirect_vreg.gather [hbm4b:s4+s2], $0x80, v4, vm0, $0xb8;
	[tilespmem:$0x10500] =	vst v63  }
0x71: {  	s14 =	simm.s32 $0xCD00;
	v3 =	vperm.xlane v3, v2  }
0x72: {  	[tilespmem:s14], [sflag:$0x1] =	stream.indirect_vreg.gather [hbm4b:s5+s2], $0x80, v4, vm0, $0xb8;
	[tilespmem:$0x10500] =	vst v63  }
0x73: {  	s16 =	simm.s32 $0xD500;
	v3 =	vadd.s32 v1, v3  }
0x74: {  	[tilespmem:s16], [sflag:$0x1] =	stream.indirect_vreg.gather [hbm4b:s6+s2], $0x80, v4, vm0, $0xb8;
	[tilespmem:$0x10500] =	vst v63  }
0x75: {  	s17 =	simm.s32 $0xDD00  }
0x76: {  	[tilespmem:s17], [sflag:$0x1] =	stream.indirect_vreg.gather [hbm4b:s7+s2], $0x80, v4, vm0, $0xb8;
	[tilespmem:$0x10500] =	vst v63  }
0x77: {  	s23 =	simm.s32 $0xE500  }
0x78: {  	[tilespmem:s23], [sflag:$0x1] =	stream.indirect_vreg.gather [hbm4b:s4+s2], $0x80, v3, vm0, $0xb8;
	[tilespmem:$0x10500] =	vst v63  }
0x79: {  	s10 =	simm.s32 $0xED00  }
0x7a: {  	[tilespmem:s10], [sflag:$0x1] =	stream.indirect_vreg.gather [hbm4b:s5+s2], $0x80, v3, vm0, $0xb8;
	[tilespmem:$0x10500] =	vst v63  }
0x7b: {  	s14 =	simm.s32 $0xF500  }
0x7c: {  	[tilespmem:s14], [sflag:$0x1] =	stream.indirect_vreg.gather [hbm4b:s6+s2], $0x80, v3, vm0, $0xb8;
	[tilespmem:$0x10500] =	vst v63  }
0x7d: {  	s16 =	simm.s32 $0xFD00  }
0x7e: {  	[tilespmem:s16], [sflag:$0x1] =	stream.indirect_vreg.gather [hbm4b:s7+s2], $0x80, v3, vm0, $0xb8;
	[tilespmem:$0x10500] =	vst v63  }
0x7f: {  	_ =	swait.ge [sflag:s26], $0x8000  }
0x80: {  	[sflag:s26] =	ssyncset.done $0x0  }
0x81: {  	s17 =	rddreg [dreg:$0x4];
	[sflag:s26] =	ssyncadd.s32 $0xFFFF8000  }
0x82: {  	[hbm4b:s17+s2] =	stream.linear.scatter [tilespmem:s28], [sflag:$0x3], $0x8000, $0x38;
	[tilespmem:$0x10500] =	vst v63  }
0x83: {  	_ =	swait.ge [sflag:s19], $0x8000  }
0x84: {  	[sflag:s19] =	ssyncset.done $0x0  }
0x85: {  	[sflag:s19] =	ssyncadd.s32 $0xFFFF8000  }
0x86: {  	v3 =	vld [tilespmem:$0x200];
	_ =	sdelay $0x4  }
0x87: {  	v52 =	vshll.u32 v3, $0x3  }
0x88: {  	v3 =	vand.u32 $0x7, v3;
	v4 =	vand.u32 $0xFFFFFFC0, v52  }
0x89: {  	v3 =	vor.u32 v3, v4  }
0x8a: {  	v4 =	vperm.xlane v3, v0;
	_ =	sdelay $0x1  }
0x8b: {  	v4 =	vadd.s32 v1, v4;
	_ =	sdelay $0x4  }
0x8c: {  	[tilespmem:s0], [sflag:$0x1] =	stream.indirect_vreg.gather [hbm4b:s4+s2], $0x80, v4, vm0, $0xb8;
	[tilespmem:$0x10500] =	vst v63  }
0x8d: {  	s14 =	simm.s32 $0xD00;
	v3 =	vperm.xlane v3, v2  }
0x8e: {  	[tilespmem:s14], [sflag:$0x1] =	stream.indirect_vreg.gather [hbm4b:s5+s2], $0x80, v4, vm0, $0xb8;
	[tilespmem:$0x10500] =	vst v63  }
0x8f: {  	s3 =	simm.s32 $0x1500;
	v3 =	vadd.s32 v1, v3  }
0x90: {  	[tilespmem:s3], [sflag:$0x1] =	stream.indirect_vreg.gather [hbm4b:s6+s2], $0x80, v4, vm0, $0xb8;
	[tilespmem:$0x10500] =	vst v63  }
0x91: {  	s9 =	simm.s32 $0x1D00  }
0x92: {  	[tilespmem:s9], [sflag:$0x1] =	stream.indirect_vreg.gather [hbm4b:s7+s2], $0x80, v4, vm0, $0xb8;
	[tilespmem:$0x10500] =	vst v63  }
0x93: {  	s11 =	simm.s32 $0x2500  }
0x94: {  	[tilespmem:s11], [sflag:$0x1] =	stream.indirect_vreg.gather [hbm4b:s4+s2], $0x80, v3, vm0, $0xb8;
	[tilespmem:$0x10500] =	vst v63  }
0x95: {  	s12 =	simm.s32 $0x2D00  }
0x96: {  	[tilespmem:s12], [sflag:$0x1] =	stream.indirect_vreg.gather [hbm4b:s5+s2], $0x80, v3, vm0, $0xb8;
	[tilespmem:$0x10500] =	vst v63  }
0x97: {  	s13 =	simm.s32 $0x3500  }
0x98: {  	[tilespmem:s13], [sflag:$0x1] =	stream.indirect_vreg.gather [hbm4b:s6+s2], $0x80, v3, vm0, $0xb8;
	[tilespmem:$0x10500] =	vst v63  }
0x99: {  	s15 =	simm.s32 $0x3D00  }
0x9a: {  	[tilespmem:s15], [sflag:$0x1] =	stream.indirect_vreg.gather [hbm4b:s7+s2], $0x80, v3, vm0, $0xb8;
	[tilespmem:$0x10500] =	vst v63  }
0x9b: {  	v3 =	vld [tilespmem:$0x210];
	_ =	sdelay $0x4  }
0x9c: {  	v53 =	vshll.u32 v3, $0x3  }
0x9d: {  	v3 =	vand.u32 $0x7, v3;
	v4 =	vand.u32 $0xFFFFFFC0, v53  }
0x9e: {  	v3 =	vor.u32 v3, v4  }
0x9f: {  	v4 =	vperm.xlane v3, v0;
	_ =	sdelay $0x1  }
0xa0: {  	v4 =	vadd.s32 v1, v4;
	_ =	sdelay $0x3  }
0xa1: {  	s15 =	simm.s32 $0x4500  }
0xa2: {  	[tilespmem:s15], [sflag:$0x1] =	stream.indirect_vreg.gather [hbm4b:s4+s2], $0x80, v4, vm0, $0xb8;
	[tilespmem:$0x10500] =	vst v63  }
0xa3: {  	s16 =	simm.s32 $0x4D00;
	v3 =	vperm.xlane v3, v2  }
0xa4: {  	[tilespmem:s16], [sflag:$0x1] =	stream.indirect_vreg.gather [hbm4b:s5+s2], $0x80, v4, vm0, $0xb8;
	[tilespmem:$0x10500] =	vst v63  }
0xa5: {  	s9 =	simm.s32 $0x5500;
	v3 =	vadd.s32 v1, v3  }
0xa6: {  	[tilespmem:s9], [sflag:$0x1] =	stream.indirect_vreg.gather [hbm4b:s6+s2], $0x80, v4, vm0, $0xb8;
	[tilespmem:$0x10500] =	vst v63  }
0xa7: {  	s10 =	simm.s32 $0x5D00  }
0xa8: {  	[tilespmem:s10], [sflag:$0x1] =	stream.indirect_vreg.gather [hbm4b:s7+s2], $0x80, v4, vm0, $0xb8;
	[tilespmem:$0x10500] =	vst v63  }
0xa9: {  	s11 =	simm.s32 $0x6500  }
0xaa: {  	[tilespmem:s11], [sflag:$0x1] =	stream.indirect_vreg.gather [hbm4b:s4+s2], $0x80, v3, vm0, $0xb8;
	[tilespmem:$0x10500] =	vst v63  }
0xab: {  	s12 =	simm.s32 $0x6D00  }
0xac: {  	[tilespmem:s12], [sflag:$0x1] =	stream.indirect_vreg.gather [hbm4b:s5+s2], $0x80, v3, vm0, $0xb8;
	[tilespmem:$0x10500] =	vst v63  }
0xad: {  	s13 =	simm.s32 $0x7500  }
0xae: {  	[tilespmem:s13], [sflag:$0x1] =	stream.indirect_vreg.gather [hbm4b:s6+s2], $0x80, v3, vm0, $0xb8;
	[tilespmem:$0x10500] =	vst v63  }
0xaf: {  	s17 =	simm.s32 $0x7D00  }
0xb0: {  	[tilespmem:s17], [sflag:$0x1] =	stream.indirect_vreg.gather [hbm4b:s7+s2], $0x80, v3, vm0, $0xb8;
	[tilespmem:$0x10500] =	vst v63  }
0xb1: {  	_ =	swait.ge [sflag:s26], $0x8000  }
0xb2: {  	[sflag:s26] =	ssyncset.done $0x0  }
0xb3: {  	s3 =	rddreg [dreg:$0x5];
	[sflag:s26] =	ssyncadd.s32 $0xFFFF8000  }
0xb4: {  	[hbm4b:s3+s2] =	stream.linear.scatter [tilespmem:s0], [sflag:$0x2], $0x8000, $0x38;
	[tilespmem:$0x10500] =	vst v63  }
0xb5: {  	_ =	swait.ge [sflag:s20], $0x8000  }
0xb6: {  	[sflag:s20] =	ssyncset.done $0x0  }
0xb7: {  	[sflag:s20] =	ssyncadd.s32 $0xFFFF8000  }
0xb8: {  	v3 =	vld [tilespmem:$0x280];
	_ =	sdelay $0x4  }
0xb9: {  	v54 =	vshll.u32 v3, $0x3  }
0xba: {  	v3 =	vand.u32 $0x7, v3;
	v4 =	vand.u32 $0xFFFFFFC0, v54  }
0xbb: {  	v3 =	vor.u32 v3, v4  }
0xbc: {  	v4 =	vperm.xlane v3, v0;
	_ =	sdelay $0x1  }
0xbd: {  	v4 =	vadd.s32 v1, v4;
	_ =	sdelay $0x4  }
0xbe: {  	[tilespmem:s28], [sflag:$0x1] =	stream.indirect_vreg.gather [hbm4b:s4+s2], $0x80, v4, vm0, $0xb8;
	[tilespmem:$0x10500] =	vst v63  }
0xbf: {  	s1 =	simm.s32 $0x8D00;
	v3 =	vperm.xlane v3, v2  }
0xc0: {  	[tilespmem:s1], [sflag:$0x1] =	stream.indirect_vreg.gather [hbm4b:s5+s2], $0x80, v4, vm0, $0xb8;
	[tilespmem:$0x10500] =	vst v63  }
0xc1: {  	v3 =	vadd.s32 v1, v3;
	s1 =	simm.s32 $0x9500  }
0xc2: {  	[tilespmem:s1], [sflag:$0x1] =	stream.indirect_vreg.gather [hbm4b:s6+s2], $0x80, v4, vm0, $0xb8;
	[tilespmem:$0x10500] =	vst v63  }
0xc3: {  	s3 =	simm.s32 $0x9D00  }
0xc4: {  	[tilespmem:s3], [sflag:$0x1] =	stream.indirect_vreg.gather [hbm4b:s7+s2], $0x80, v4, vm0, $0xb8;
	[tilespmem:$0x10500] =	vst v63  }
0xc5: {  	s30 =	simm.s32 $0xA500  }
0xc6: {  	[tilespmem:s30], [sflag:$0x1] =	stream.indirect_vreg.gather [hbm4b:s4+s2], $0x80, v3, vm0, $0xb8;
	[tilespmem:$0x10500] =	vst v63  }
0xc7: {  	s25 =	simm.s32 $0xAD00  }
0xc8: {  	[tilespmem:s25], [sflag:$0x1] =	stream.indirect_vreg.gather [hbm4b:s5+s2], $0x80, v3, vm0, $0xb8;
	[tilespmem:$0x10500] =	vst v63  }
0xc9: {  	s29 =	simm.s32 $0xB500  }
0xca: {  	[tilespmem:s29], [sflag:$0x1] =	stream.indirect_vreg.gather [hbm4b:s6+s2], $0x80, v3, vm0, $0xb8;
	[tilespmem:$0x10500] =	vst v63  }
0xcb: {  	s24 =	simm.s32 $0xBD00  }
0xcc: {  	[tilespmem:s24], [sflag:$0x1] =	stream.indirect_vreg.gather [hbm4b:s7+s2], $0x80, v3, vm0, $0xb8;
	[tilespmem:$0x10500] =	vst v63  }
0xcd: {  	v3 =	vld [tilespmem:$0x290];
	_ =	sdelay $0x4  }
0xce: {  	v55 =	vshll.u32 v3, $0x3  }
0xcf: {  	v3 =	vand.u32 $0x7, v3;
	v4 =	vand.u32 $0xFFFFFFC0, v55  }
0xd0: {  	v3 =	vor.u32 v3, v4  }
0xd1: {  	v4 =	vperm.xlane v3, v0;
	_ =	sdelay $0x1  }
0xd2: {  	v4 =	vadd.s32 v1, v4;
	_ =	sdelay $0x3  }
0xd3: {  	s18 =	simm.s32 $0xC500  }
0xd4: {  	[tilespmem:s18], [sflag:$0x1] =	stream.indirect_vreg.gather [hbm4b:s4+s2], $0x80, v4, vm0, $0xb8;
	[tilespmem:$0x10500] =	vst v63  }
0xd5: {  	s22 =	simm.s32 $0xCD00;
	v3 =	vperm.xlane v3, v2  }
0xd6: {  	[tilespmem:s22], [sflag:$0x1] =	stream.indirect_vreg.gather [hbm4b:s5+s2], $0x80, v4, vm0, $0xb8;
	[tilespmem:$0x10500] =	vst v63  }
0xd7: {  	s24 =	simm.s32 $0xD500;
	v3 =	vadd.s32 v1, v3  }
0xd8: {  	[tilespmem:s24], [sflag:$0x1] =	stream.indirect_vreg.gather [hbm4b:s6+s2], $0x80, v4, vm0, $0xb8;
	[tilespmem:$0x10500] =	vst v63  }
0xd9: {  	s31 =	simm.s32 $0xDD00  }
0xda: {  	[tilespmem:s31], [sflag:$0x1] =	stream.indirect_vreg.gather [hbm4b:s7+s2], $0x80, v4, vm0, $0xb8;
	[tilespmem:$0x10500] =	vst v63  }
0xdb: {  	s31 =	simm.s32 $0xE500  }
0xdc: {  	[tilespmem:s31], [sflag:$0x1] =	stream.indirect_vreg.gather [hbm4b:s4+s2], $0x80, v3, vm0, $0xb8;
	[tilespmem:$0x10500] =	vst v63  }
0xdd: {  	s22 =	simm.s32 $0xED00  }
0xde: {  	[tilespmem:s22], [sflag:$0x1] =	stream.indirect_vreg.gather [hbm4b:s5+s2], $0x80, v3, vm0, $0xb8;
	[tilespmem:$0x10500] =	vst v63  }
0xdf: {  	s24 =	simm.s32 $0xF500  }
0xe0: {  	[tilespmem:s24], [sflag:$0x1] =	stream.indirect_vreg.gather [hbm4b:s6+s2], $0x80, v3, vm0, $0xb8;
	[tilespmem:$0x10500] =	vst v63  }
0xe1: {  	s23 =	simm.s32 $0xFD00  }
0xe2: {  	[tilespmem:s23], [sflag:$0x1] =	stream.indirect_vreg.gather [hbm4b:s7+s2], $0x80, v3, vm0, $0xb8;
	[tilespmem:$0x10500] =	vst v63  }
0xe3: {  	_ =	swait.ge [sflag:s26], $0x8000  }
0xe4: {  	[sflag:s26] =	ssyncset.done $0x0  }
0xe5: {  	s23 =	rddreg [dreg:$0x6];
	[sflag:s26] =	ssyncadd.s32 $0xFFFF8000  }
0xe6: {  	[hbm4b:s23+s2] =	stream.linear.scatter [tilespmem:s28], [sflag:$0x3], $0x8000, $0x38;
	[tilespmem:$0x10500] =	vst v63  }
0xe7: {  	_ =	swait.ge [sflag:s19], $0x8000  }
0xe8: {  	[sflag:s19] =	ssyncset.done $0x0  }
0xe9: {  	[sflag:s19] =	ssyncadd.s32 $0xFFFF8000  }
0xea: {  	v3 =	vld [tilespmem:$0x300];
	_ =	sdelay $0x4  }
0xeb: {  	v56 =	vshll.u32 v3, $0x3  }
0xec: {  	v3 =	vand.u32 $0x7, v3;
	v4 =	vand.u32 $0xFFFFFFC0, v56  }
0xed: {  	v3 =	vor.u32 v3, v4  }
0xee: {  	v4 =	vperm.xlane v3, v0;
	_ =	sdelay $0x1  }
0xef: {  	v4 =	vadd.s32 v1, v4;
	_ =	sdelay $0x4  }
0xf0: {  	[tilespmem:s0], [sflag:$0x1] =	stream.indirect_vreg.gather [hbm4b:s4+s2], $0x80, v4, vm0, $0xb8;
	[tilespmem:$0x10500] =	vst v63  }
0xf1: {  	v3 =	vperm.xlane v3, v2  }
0xf2: {  	[tilespmem:s14], [sflag:$0x1] =	stream.indirect_vreg.gather [hbm4b:s5+s2], $0x80, v4, vm0, $0xb8;
	[tilespmem:$0x10500] =	vst v63  }
0xf3: {  	s23 =	simm.s32 $0x1500;
	v3 =	vadd.s32 v1, v3  }
0xf4: {  	[tilespmem:s23], [sflag:$0x1] =	stream.indirect_vreg.gather [hbm4b:s6+s2], $0x80, v4, vm0, $0xb8;
	[tilespmem:$0x10500] =	vst v63  }
0xf5: {  	s23 =	simm.s32 $0x1D00  }
0xf6: {  	[tilespmem:s23], [sflag:$0x1] =	stream.indirect_vreg.gather [hbm4b:s7+s2], $0x80, v4, vm0, $0xb8;
	[tilespmem:$0x10500] =	vst v63  }
0xf7: {  	s23 =	simm.s32 $0x2500  }
0xf8: {  	[tilespmem:s23], [sflag:$0x1] =	stream.indirect_vreg.gather [hbm4b:s4+s2], $0x80, v3, vm0, $0xb8;
	[tilespmem:$0x10500] =	vst v63  }
0xf9: {  	s23 =	simm.s32 $0x2D00  }
0xfa: {  	[tilespmem:s23], [sflag:$0x1] =	stream.indirect_vreg.gather [hbm4b:s5+s2], $0x80, v3, vm0, $0xb8;
	[tilespmem:$0x10500] =	vst v63  }
0xfb: {  	s23 =	simm.s32 $0x3500  }
0xfc: {  	[tilespmem:s23], [sflag:$0x1] =	stream.indirect_vreg.gather [hbm4b:s6+s2], $0x80, v3, vm0, $0xb8;
	[tilespmem:$0x10500] =	vst v63  }
0xfd: {  	s23 =	simm.s32 $0x3D00  }
0xfe: {  	[tilespmem:s23], [sflag:$0x1] =	stream.indirect_vreg.gather [hbm4b:s7+s2], $0x80, v3, vm0, $0xb8;
	[tilespmem:$0x10500] =	vst v63  }
0xff: {  	v3 =	vld [tilespmem:$0x310];
	_ =	sdelay $0x4  }
0x100: {  	v57 =	vshll.u32 v3, $0x3  }
0x101: {  	v3 =	vand.u32 $0x7, v3;
	v4 =	vand.u32 $0xFFFFFFC0, v57  }
0x102: {  	v3 =	vor.u32 v3, v4  }
0x103: {  	v4 =	vperm.xlane v3, v0;
	_ =	sdelay $0x1  }
0x104: {  	v4 =	vadd.s32 v1, v4;
	_ =	sdelay $0x4  }
0x105: {  	[tilespmem:s15], [sflag:$0x1] =	stream.indirect_vreg.gather [hbm4b:s4+s2], $0x80, v4, vm0, $0xb8;
	[tilespmem:$0x10500] =	vst v63  }
0x106: {  	v3 =	vperm.xlane v3, v2  }
0x107: {  	[tilespmem:s16], [sflag:$0x1] =	stream.indirect_vreg.gather [hbm4b:s5+s2], $0x80, v4, vm0, $0xb8;
	[tilespmem:$0x10500] =	vst v63  }
0x108: {  	v3 =	vadd.s32 v1, v3  }
0x109: {  	[tilespmem:s9], [sflag:$0x1] =	stream.indirect_vreg.gather [hbm4b:s6+s2], $0x80, v4, vm0, $0xb8;
	[tilespmem:$0x10500] =	vst v63  }
0x10a: {  	_ = 	snop  }
0x10b: {  	[tilespmem:s10], [sflag:$0x1] =	stream.indirect_vreg.gather [hbm4b:s7+s2], $0x80, v4, vm0, $0xb8;
	[tilespmem:$0x10500] =	vst v63  }
0x10c: {  	_ = 	snop  }
0x10d: {  	[tilespmem:s11], [sflag:$0x1] =	stream.indirect_vreg.gather [hbm4b:s4+s2], $0x80, v3, vm0, $0xb8;
	[tilespmem:$0x10500] =	vst v63  }
0x10e: {  	_ = 	snop  }
0x10f: {  	[tilespmem:s12], [sflag:$0x1] =	stream.indirect_vreg.gather [hbm4b:s5+s2], $0x80, v3, vm0, $0xb8;
	[tilespmem:$0x10500] =	vst v63  }
0x110: {  	_ = 	snop  }
0x111: {  	[tilespmem:s13], [sflag:$0x1] =	stream.indirect_vreg.gather [hbm4b:s6+s2], $0x80, v3, vm0, $0xb8;
	[tilespmem:$0x10500] =	vst v63  }
0x112: {  	_ = 	snop  }
0x113: {  	[tilespmem:s17], [sflag:$0x1] =	stream.indirect_vreg.gather [hbm4b:s7+s2], $0x80, v3, vm0, $0xb8;
	[tilespmem:$0x10500] =	vst v63  }
0x114: {  	_ =	swait.ge [sflag:s26], $0x8000  }
0x115: {  	[sflag:s26] =	ssyncset.done $0x0  }
0x116: {  	s23 =	rddreg [dreg:$0x7];
	[sflag:s26] =	ssyncadd.s32 $0xFFFF8000  }
0x117: {  	[hbm4b:s23+s2] =	stream.linear.scatter [tilespmem:s0], [sflag:$0x2], $0x8000, $0x38;
	[tilespmem:$0x10500] =	vst v63  }
0x118: {  	_ =	swait.ge [sflag:s20], $0x8000  }
0x119: {  	[sflag:s20] =	ssyncset.done $0x0  }
0x11a: {  	[sflag:s20] =	ssyncadd.s32 $0xFFFF8000  }
0x11b: {  	v3 =	vld [tilespmem:$0x380];
	_ =	sdelay $0x4  }
0x11c: {  	v58 =	vshll.u32 v3, $0x3  }
0x11d: {  	v3 =	vand.u32 $0x7, v3;
	v4 =	vand.u32 $0xFFFFFFC0, v58  }
0x11e: {  	v3 =	vor.u32 v3, v4  }
0x11f: {  	v4 =	vperm.xlane v3, v0;
	_ =	sdelay $0x1  }
0x120: {  	v4 =	vadd.s32 v1, v4;
	_ =	sdelay $0x4  }
0x121: {  	[tilespmem:s28], [sflag:$0x1] =	stream.indirect_vreg.gather [hbm4b:s4+s2], $0x80, v4, vm0, $0xb8;
	[tilespmem:$0x10500] =	vst v63  }
0x122: {  	s23 =	simm.s32 $0x8D00;
	v3 =	vperm.xlane v3, v2  }
0x123: {  	[tilespmem:s23], [sflag:$0x1] =	stream.indirect_vreg.gather [hbm4b:s5+s2], $0x80, v4, vm0, $0xb8;
	[tilespmem:$0x10500] =	vst v63  }
0x124: {  	v3 =	vadd.s32 v1, v3  }
0x125: {  	[tilespmem:s1], [sflag:$0x1] =	stream.indirect_vreg.gather [hbm4b:s6+s2], $0x80, v4, vm0, $0xb8;
	[tilespmem:$0x10500] =	vst v63  }
0x126: {  	_ = 	snop  }
0x127: {  	[tilespmem:s3], [sflag:$0x1] =	stream.indirect_vreg.gather [hbm4b:s7+s2], $0x80, v4, vm0, $0xb8;
	[tilespmem:$0x10500] =	vst v63  }
0x128: {  	s30 =	simm.s32 $0xA500  }
0x129: {  	[tilespmem:s30], [sflag:$0x1] =	stream.indirect_vreg.gather [hbm4b:s4+s2], $0x80, v3, vm0, $0xb8;
	[tilespmem:$0x10500] =	vst v63  }
0x12a: {  	s25 =	simm.s32 $0xAD00  }
0x12b: {  	[tilespmem:s25], [sflag:$0x1] =	stream.indirect_vreg.gather [hbm4b:s5+s2], $0x80, v3, vm0, $0xb8;
	[tilespmem:$0x10500] =	vst v63  }
0x12c: {  	s29 =	simm.s32 $0xB500  }
0x12d: {  	[tilespmem:s29], [sflag:$0x1] =	stream.indirect_vreg.gather [hbm4b:s6+s2], $0x80, v3, vm0, $0xb8;
	[tilespmem:$0x10500] =	vst v63  }
0x12e: {  	s29 =	simm.s32 $0xBD00  }
0x12f: {  	[tilespmem:s29], [sflag:$0x1] =	stream.indirect_vreg.gather [hbm4b:s7+s2], $0x80, v3, vm0, $0xb8;
	[tilespmem:$0x10500] =	vst v63  }
0x130: {  	v3 =	vld [tilespmem:$0x390];
	_ =	sdelay $0x4  }
0x131: {  	v59 =	vshll.u32 v3, $0x3  }
0x132: {  	v3 =	vand.u32 $0x7, v3;
	v4 =	vand.u32 $0xFFFFFFC0, v59  }
0x133: {  	v3 =	vor.u32 v3, v4  }
0x134: {  	v4 =	vperm.xlane v3, v0;
	_ =	sdelay $0x1  }
0x135: {  	v4 =	vadd.s32 v1, v4;
	_ =	sdelay $0x3  }
0x136: {  	s29 =	simm.s32 $0xC500  }
0x137: {  	[tilespmem:s29], [sflag:$0x1] =	stream.indirect_vreg.gather [hbm4b:s4+s2], $0x80, v4, vm0, $0xb8;
	[tilespmem:$0x10500] =	vst v63  }
0x138: {  	v3 =	vperm.xlane v3, v2;
	s29 =	simm.s32 $0xCD00  }
0x139: {  	[tilespmem:s29], [sflag:$0x1] =	stream.indirect_vreg.gather [hbm4b:s5+s2], $0x80, v4, vm0, $0xb8;
	[tilespmem:$0x10500] =	vst v63  }
0x13a: {  	s18 =	simm.s32 $0xD500;
	v3 =	vadd.s32 v1, v3  }
0x13b: {  	[tilespmem:s18], [sflag:$0x1] =	stream.indirect_vreg.gather [hbm4b:s6+s2], $0x80, v4, vm0, $0xb8;
	[tilespmem:$0x10500] =	vst v63  }
0x13c: {  	s21 =	simm.s32 $0xDD00  }
0x13d: {  	[tilespmem:s21], [sflag:$0x1] =	stream.indirect_vreg.gather [hbm4b:s7+s2], $0x80, v4, vm0, $0xb8;
	[tilespmem:$0x10500] =	vst v63  }
0x13e: {  	s31 =	simm.s32 $0xE500  }
0x13f: {  	[tilespmem:s31], [sflag:$0x1] =	stream.indirect_vreg.gather [hbm4b:s4+s2], $0x80, v3, vm0, $0xb8;
	[tilespmem:$0x10500] =	vst v63  }
0x140: {  	s22 =	simm.s32 $0xED00  }
0x141: {  	[tilespmem:s22], [sflag:$0x1] =	stream.indirect_vreg.gather [hbm4b:s5+s2], $0x80, v3, vm0, $0xb8;
	[tilespmem:$0x10500] =	vst v63  }
0x142: {  	s24 =	simm.s32 $0xF500  }
0x143: {  	[tilespmem:s24], [sflag:$0x1] =	stream.indirect_vreg.gather [hbm4b:s6+s2], $0x80, v3, vm0, $0xb8;
	[tilespmem:$0x10500] =	vst v63  }
0x144: {  	s24 =	simm.s32 $0xFD00  }
0x145: {  	[tilespmem:s24], [sflag:$0x1] =	stream.indirect_vreg.gather [hbm4b:s7+s2], $0x80, v3, vm0, $0xb8;
	[tilespmem:$0x10500] =	vst v63  }
0x146: {  	_ =	swait.ge [sflag:s26], $0x8000  }
0x147: {  	[sflag:s26] =	ssyncset.done $0x0  }
0x148: {  	s21 =	rddreg [dreg:$0x8];
	[sflag:s26] =	ssyncadd.s32 $0xFFFF8000  }
0x149: {  	[hbm4b:s21+s2] =	stream.linear.scatter [tilespmem:s28], [sflag:$0x3], $0x8000, $0x38;
	[tilespmem:$0x10500] =	vst v63  }
0x14a: {  	_ =	swait.ge [sflag:s19], $0x8000  }
0x14b: {  	[sflag:s19] =	ssyncset.done $0x0  }
0x14c: {  	[sflag:s19] =	ssyncadd.s32 $0xFFFF8000  }
0x14d: {  	v3 =	vld [tilespmem:$0x400];
	_ =	sdelay $0x4  }
0x14e: {  	v60 =	vshll.u32 v3, $0x3  }
0x14f: {  	v3 =	vand.u32 $0x7, v3;
	v4 =	vand.u32 $0xFFFFFFC0, v60  }
0x150: {  	v3 =	vor.u32 v3, v4  }
0x151: {  	v4 =	vperm.xlane v3, v0;
	_ =	sdelay $0x1  }
0x152: {  	v4 =	vadd.s32 v1, v4;
	_ =	sdelay $0x4  }
0x153: {  	[tilespmem:s0], [sflag:$0x1] =	stream.indirect_vreg.gather [hbm4b:s4+s2], $0x80, v4, vm0, $0xb8;
	[tilespmem:$0x10500] =	vst v63  }
0x154: {  	s14 =	simm.s32 $0xD00;
	v3 =	vperm.xlane v3, v2  }
0x155: {  	[tilespmem:s14], [sflag:$0x1] =	stream.indirect_vreg.gather [hbm4b:s5+s2], $0x80, v4, vm0, $0xb8;
	[tilespmem:$0x10500] =	vst v63  }
0x156: {  	s21 =	simm.s32 $0x1500;
	v3 =	vadd.s32 v1, v3  }
0x157: {  	[tilespmem:s21], [sflag:$0x1] =	stream.indirect_vreg.gather [hbm4b:s6+s2], $0x80, v4, vm0, $0xb8;
	[tilespmem:$0x10500] =	vst v63  }
0x158: {  	s21 =	simm.s32 $0x1D00  }
0x159: {  	[tilespmem:s21], [sflag:$0x1] =	stream.indirect_vreg.gather [hbm4b:s7+s2], $0x80, v4, vm0, $0xb8;
	[tilespmem:$0x10500] =	vst v63  }
0x15a: {  	s21 =	simm.s32 $0x2500  }
0x15b: {  	[tilespmem:s21], [sflag:$0x1] =	stream.indirect_vreg.gather [hbm4b:s4+s2], $0x80, v3, vm0, $0xb8;
	[tilespmem:$0x10500] =	vst v63  }
0x15c: {  	s21 =	simm.s32 $0x2D00  }
0x15d: {  	[tilespmem:s21], [sflag:$0x1] =	stream.indirect_vreg.gather [hbm4b:s5+s2], $0x80, v3, vm0, $0xb8;
	[tilespmem:$0x10500] =	vst v63  }
0x15e: {  	s21 =	simm.s32 $0x3500  }
0x15f: {  	[tilespmem:s21], [sflag:$0x1] =	stream.indirect_vreg.gather [hbm4b:s6+s2], $0x80, v3, vm0, $0xb8;
	[tilespmem:$0x10500] =	vst v63  }
0x160: {  	s21 =	simm.s32 $0x3D00  }
0x161: {  	[tilespmem:s21], [sflag:$0x1] =	stream.indirect_vreg.gather [hbm4b:s7+s2], $0x80, v3, vm0, $0xb8;
	[tilespmem:$0x10500] =	vst v63  }
0x162: {  	v3 =	vld [tilespmem:$0x410];
	_ =	sdelay $0x4  }
0x163: {  	v61 =	vshll.u32 v3, $0x3  }
0x164: {  	v3 =	vand.u32 $0x7, v3;
	v4 =	vand.u32 $0xFFFFFFC0, v61  }
0x165: {  	v3 =	vor.u32 v3, v4  }
0x166: {  	v4 =	vperm.xlane v3, v0;
	_ =	sdelay $0x1  }
0x167: {  	v4 =	vadd.s32 v1, v4;
	_ =	sdelay $0x3  }
0x168: {  	s15 =	simm.s32 $0x4500  }
0x169: {  	[tilespmem:s15], [sflag:$0x1] =	stream.indirect_vreg.gather [hbm4b:s4+s2], $0x80, v4, vm0, $0xb8;
	[tilespmem:$0x10500] =	vst v63  }
0x16a: {  	s16 =	simm.s32 $0x4D00;
	v3 =	vperm.xlane v3, v2  }
0x16b: {  	[tilespmem:s16], [sflag:$0x1] =	stream.indirect_vreg.gather [hbm4b:s5+s2], $0x80, v4, vm0, $0xb8;
	[tilespmem:$0x10500] =	vst v63  }
0x16c: {  	s9 =	simm.s32 $0x5500;
	v3 =	vadd.s32 v1, v3  }
0x16d: {  	[tilespmem:s9], [sflag:$0x1] =	stream.indirect_vreg.gather [hbm4b:s6+s2], $0x80, v4, vm0, $0xb8;
	[tilespmem:$0x10500] =	vst v63  }
0x16e: {  	s10 =	simm.s32 $0x5D00  }
0x16f: {  	[tilespmem:s10], [sflag:$0x1] =	stream.indirect_vreg.gather [hbm4b:s7+s2], $0x80, v4, vm0, $0xb8;
	[tilespmem:$0x10500] =	vst v63  }
0x170: {  	s11 =	simm.s32 $0x6500  }
0x171: {  	[tilespmem:s11], [sflag:$0x1] =	stream.indirect_vreg.gather [hbm4b:s4+s2], $0x80, v3, vm0, $0xb8;
	[tilespmem:$0x10500] =	vst v63  }
0x172: {  	s12 =	simm.s32 $0x6D00  }
0x173: {  	[tilespmem:s12], [sflag:$0x1] =	stream.indirect_vreg.gather [hbm4b:s5+s2], $0x80, v3, vm0, $0xb8;
	[tilespmem:$0x10500] =	vst v63  }
0x174: {  	s13 =	simm.s32 $0x7500  }
0x175: {  	[tilespmem:s13], [sflag:$0x1] =	stream.indirect_vreg.gather [hbm4b:s6+s2], $0x80, v3, vm0, $0xb8;
	[tilespmem:$0x10500] =	vst v63  }
0x176: {  	s17 =	simm.s32 $0x7D00  }
0x177: {  	[tilespmem:s17], [sflag:$0x1] =	stream.indirect_vreg.gather [hbm4b:s7+s2], $0x80, v3, vm0, $0xb8;
	[tilespmem:$0x10500] =	vst v63  }
0x178: {  	_ =	swait.ge [sflag:s26], $0x8000  }
0x179: {  	[sflag:s26] =	ssyncset.done $0x0  }
0x17a: {  	s16 =	rddreg [dreg:$0x9];
	[sflag:s26] =	ssyncadd.s32 $0xFFFF8000  }
0x17b: {  	[hbm4b:s16+s2] =	stream.linear.scatter [tilespmem:s0], [sflag:$0x2], $0x8000, $0x38;
	[tilespmem:$0x10500] =	vst v63  }
0x17c: {  	_ =	swait.ge [sflag:s20], $0x8000  }
0x17d: {  	[sflag:s20] =	ssyncset.done $0x0  }
0x17e: {  	[sflag:s20] =	ssyncadd.s32 $0xFFFF8000  }
0x17f: {  	v3 =	vld [tilespmem:$0x480];
	_ =	sdelay $0x4  }
0x180: {  	v62 =	vshll.u32 v3, $0x3  }
0x181: {  	v3 =	vand.u32 $0x7, v3;
	v4 =	vand.u32 $0xFFFFFFC0, v62  }
0x182: {  	v3 =	vor.u32 v3, v4  }
0x183: {  	v4 =	vperm.xlane v3, v0;
	_ =	sdelay $0x1  }
0x184: {  	v4 =	vadd.s32 v1, v4;
	_ =	sdelay $0x4  }
0x185: {  	[tilespmem:s28], [sflag:$0x1] =	stream.indirect_vreg.gather [hbm4b:s4+s2], $0x80, v4, vm0, $0xb8;
	[tilespmem:$0x10500] =	vst v63  }
0x186: {  	s17 =	simm.s32 $0x8D00;
	v3 =	vperm.xlane v3, v2  }
0x187: {  	[tilespmem:s17], [sflag:$0x1] =	stream.indirect_vreg.gather [hbm4b:s5+s2], $0x80, v4, vm0, $0xb8;
	[tilespmem:$0x10500] =	vst v63  }
0x188: {  	s1 =	simm.s32 $0x9500;
	v3 =	vadd.s32 v1, v3  }
0x189: {  	[tilespmem:s1], [sflag:$0x1] =	stream.indirect_vreg.gather [hbm4b:s6+s2], $0x80, v4, vm0, $0xb8;
	[tilespmem:$0x10500] =	vst v63  }
0x18a: {  	s3 =	simm.s32 $0x9D00  }
0x18b: {  	[tilespmem:s3], [sflag:$0x1] =	stream.indirect_vreg.gather [hbm4b:s7+s2], $0x80, v4, vm0, $0xb8;
	[tilespmem:$0x10500] =	vst v63  }
0x18c: {  	s30 =	simm.s32 $0xA500  }
0x18d: {  	[tilespmem:s30], [sflag:$0x1] =	stream.indirect_vreg.gather [hbm4b:s4+s2], $0x80, v3, vm0, $0xb8;
	[tilespmem:$0x10500] =	vst v63  }
0x18e: {  	s23 =	simm.s32 $0xAD00  }
0x18f: {  	[tilespmem:s23], [sflag:$0x1] =	stream.indirect_vreg.gather [hbm4b:s5+s2], $0x80, v3, vm0, $0xb8;
	[tilespmem:$0x10500] =	vst v63  }
0x190: {  	s25 =	simm.s32 $0xB500  }
0x191: {  	[tilespmem:s25], [sflag:$0x1] =	stream.indirect_vreg.gather [hbm4b:s6+s2], $0x80, v3, vm0, $0xb8;
	[tilespmem:$0x10500] =	vst v63  }
0x192: {  	s21 =	simm.s32 $0xBD00  }
0x193: {  	[tilespmem:s21], [sflag:$0x1] =	stream.indirect_vreg.gather [hbm4b:s7+s2], $0x80, v3, vm0, $0xb8;
	[tilespmem:$0x10500] =	vst v63  }
0x194: {  	v3 =	vld [tilespmem:$0x490];
	_ =	sdelay $0x4  }
0x195: {  	v63 =	vshll.u32 v3, $0x3  }
0x196: {  	v3 =	vand.u32 $0x7, v3;
	v4 =	vand.u32 $0xFFFFFFC0, v63  }
0x197: {  	v3 =	vor.u32 v3, v4  }
0x198: {  	v4 =	vperm.xlane v3, v0;
	_ =	sdelay $0x1  }
0x199: {  	v4 =	vadd.s32 v1, v4;
	_ =	sdelay $0x3  }
0x19a: {  	s23 =	simm.s32 $0xC500  }
0x19b: {  	[tilespmem:s23], [sflag:$0x1] =	stream.indirect_vreg.gather [hbm4b:s4+s2], $0x80, v4, vm0, $0xb8;
	[tilespmem:$0x10500] =	vst v63  }
0x19c: {  	s25 =	simm.s32 $0xCD00;
	v3 =	vperm.xlane v3, v2  }
0x19d: {  	[tilespmem:s25], [sflag:$0x1] =	stream.indirect_vreg.gather [hbm4b:s5+s2], $0x80, v4, vm0, $0xb8;
	[tilespmem:$0x10500] =	vst v63  }
0x19e: {  	s29 =	simm.s32 $0xD500;
	v3 =	vadd.s32 v1, v3  }
0x19f: {  	[tilespmem:s29], [sflag:$0x1] =	stream.indirect_vreg.gather [hbm4b:s6+s2], $0x80, v4, vm0, $0xb8;
	[tilespmem:$0x10500] =	vst v63  }
0x1a0: {  	s30 =	simm.s32 $0xDD00  }
0x1a1: {  	[tilespmem:s30], [sflag:$0x1] =	stream.indirect_vreg.gather [hbm4b:s7+s2], $0x80, v4, vm0, $0xb8;
	[tilespmem:$0x10500] =	vst v63  }
0x1a2: {  	s31 =	simm.s32 $0xE500  }
0x1a3: {  	[tilespmem:s31], [sflag:$0x1] =	stream.indirect_vreg.gather [hbm4b:s4+s2], $0x80, v3, vm0, $0xb8;
	[tilespmem:$0x10500] =	vst v63  }
0x1a4: {  	s18 =	simm.s32 $0xED00  }
0x1a5: {  	[tilespmem:s18], [sflag:$0x1] =	stream.indirect_vreg.gather [hbm4b:s5+s2], $0x80, v3, vm0, $0xb8;
	[tilespmem:$0x10500] =	vst v63  }
0x1a6: {  	s22 =	simm.s32 $0xF500  }
0x1a7: {  	[tilespmem:s22], [sflag:$0x1] =	stream.indirect_vreg.gather [hbm4b:s6+s2], $0x80, v3, vm0, $0xb8;
	[tilespmem:$0x10500] =	vst v63  }
0x1a8: {  	s24 =	simm.s32 $0xFD00  }
0x1a9: {  	[tilespmem:s24], [sflag:$0x1] =	stream.indirect_vreg.gather [hbm4b:s7+s2], $0x80, v3, vm0, $0xb8;
	[tilespmem:$0x10500] =	vst v63  }
0x1aa: {  	_ =	swait.ge [sflag:s26], $0x8000  }
0x1ab: {  	[sflag:s26] =	ssyncset.done $0x0  }
0x1ac: {  	s31 =	rddreg [dreg:$0xa];
	[sflag:s26] =	ssyncadd.s32 $0xFFFF8000  }
0x1ad: {  	[hbm4b:s31+s2] =	stream.linear.scatter [tilespmem:s28], [sflag:$0x3], $0x8000, $0x38;
	[tilespmem:$0x10500] =	vst v63  }
0x1ae: {  	p0 =	sne.s32 s8, $0x1;
	_ =	swait.ge [sflag:s19], $0x8000  }
.Ltmp0:
0x1af: {  	[sflag:s19] =	ssyncset.done $0x0;
	(pc) =	sbr.rel @p0 .LBB2_1-.Ltmp0, $4  }
0x1b0: {  	[sflag:s19] =	ssyncadd.s32 $0xFFFF8000  }
0x1b1: {  	_ =	swait.ge [sflag:s20], $0x8000  }
0x1b2: {  	[sflag:s20] =	ssyncset.done $0x0  }
0x1b3: {  	s8 =	sadd.s32 $0xFFFFFFFF, s8;
	[sflag:s20] =	ssyncadd.s32 $0xFFFF8000  }
0x1b4: {  	_ =	sfence.sel $0x180000  }
0x1b5: {  	[bflag:$0x0] =	sbarrier.arrive $0xFFFF  }
0x1b6: {  	_ =	strace $0x9000004A  }
0x1b7: {  	s0 =	stileid.u32;
	[bflag:$0x2] =	sbarrier.arrive $0xFFFF  }
0x1b8: {  	p0 =	sne.s32 s0, $0x0;
	s0 =	rddreg [dreg:$0x2]  }
0x1b9: {  	s0 =	sadd.s32 @!p0 $0x100000, s0  }
0x1ba: {  	[sflag:s0] =	ssyncadd.tile.s32 @!p0 $0x1;
	_ =	shalt  }
.Lfunc_end2:
_tile_overlayer_lowered:
.L_overlay_start_2:
0x1bb: {  	(tag) =	ssettag $0x2  }
0x1bc: {  	s0 =	rddreg [dreg:$0x0];
	s2 =	stileid.u32  }
0x1bd: {  	s1 =	rddreg [dreg:$0x1];
	p0 =	sne.s32 s2, $0x0  }
0x1be: {  	s3 =	rddreg [dreg:$0x2];
	[bflag:$0x3] =	sbarrier.arrive $0xFFFF;
	s2 =	simm.s32 @!p0 $0x1C04  }
0x1bf: {  	[timem:s3], [sflag:s2] =	dma.local @!p0 [hbm:s0], s1  }
0x1c0: {  	s0 =	simm.s32 @!p0 $0x4  }
0x1c1: {  	_ =	swait.ge @!p0 [sflag:s0], s1  }
0x1c2: {  	s1 =	ssub.s32 @!p0 $0x0, s1;
	[sflag:s0] =	ssyncset.done @!p0 $0x0  }
0x1c3: {  	[sflag:s0] =	ssyncadd.s32 @!p0 s1  }
0x1c4: {  	[bflag:$0x3] =	sbarrier.arrive $0xFFFF  }
0x1c5: {  	_ =	shalt  }

</sc_bundles>
